<compile_context>
chip_gen: v7x
topology: tpu7x:2x2x1
jax: 0.10.2.dev20260603
libtpu: 0.0.44.dev20260713+nightly
codegen_flags: <defaults>
</compile_context>

<pallas_src>
import functools

import jax
import jax.numpy as jnp
from jax import lax
from jax.experimental import pallas as pl
from jax.experimental.pallas import tpu as pltpu
from jax.experimental.pallas import tpu_sc as plsc

T = 2048
D = 768
E = 8
B = 128
NCHUNK = T // B
SB = 256
NSLOT = T + E * SB
NBLK = NSLOT // SB
NBLK_PAD = 32

NC = 2
NS = 16
NW = NC * NS
TPW = T // NW


def _router_body(x_ref, wr_ref, br_ref, oh_ref, dest_ref, bexp_ref):
    f32 = jnp.float32
    logits = jnp.dot(x_ref[...], wr_ref[...], preferred_element_type=f32)
    logits = logits + br_ref[...]
    m = jnp.max(logits, axis=1, keepdims=True)
    col = lax.broadcasted_iota(jnp.int32, (T, E), 1).astype(f32)
    first = jnp.min(jnp.where(logits == m, col, 1e9), axis=1, keepdims=True)
    oh = (col == first).astype(f32)
    first_t = jnp.transpose(first, (1, 0))
    row = lax.broadcasted_iota(jnp.int32, (E, T), 0).astype(f32)
    oh_ref[...] = (row == first_t).astype(f32)

    seg = (lax.broadcasted_iota(jnp.int32, (NCHUNK, T), 0)
           == lax.shift_right_logical(
               lax.broadcasted_iota(jnp.int32, (NCHUNK, T), 1), 7)
           ).astype(f32)
    chunk_tot = jnp.dot(seg, oh, preferred_element_type=f32)
    ltx = (lax.broadcasted_iota(jnp.int32, (NCHUNK, NCHUNK), 0)
           > lax.broadcasted_iota(jnp.int32, (NCHUNK, NCHUNK), 1)).astype(f32)
    chunk_excl = jnp.dot(ltx, chunk_tot, preferred_element_type=f32)
    lt = (lax.broadcasted_iota(jnp.int32, (B, B), 0)
          >= lax.broadcasted_iota(jnp.int32, (B, B), 1)).astype(f32)
    parts = []
    for c in range(NCHUNK):
        blk = oh[c * B:(c + 1) * B, :]
        s = jnp.dot(lt, blk, preferred_element_type=f32)
        parts.append(s + chunk_excl[c:c + 1, :])
    rank_incl = jnp.concatenate(parts, axis=0)
    counts = chunk_excl[NCHUNK - 1:NCHUNK, :] + chunk_tot[NCHUNK - 1:NCHUNK, :]

    padded = jnp.floor((counts + (SB - 1)) * (1.0 / SB)) * SB
    ut = (lax.broadcasted_iota(jnp.int32, (E, E), 0)
          <= lax.broadcasted_iota(jnp.int32, (E, E), 1)).astype(f32)
    offs_excl = jnp.dot(padded, ut, preferred_element_type=f32) - padded

    dest = jnp.sum(oh * (offs_excl + rank_incl - 1.0), axis=1, keepdims=True)
    dest_ref[...] = jnp.transpose(dest, (1, 0)).astype(jnp.int32)

    ib = lax.broadcasted_iota(jnp.int32, (NBLK_PAD, E), 0).astype(f32) * SB
    act = jnp.logical_and(offs_excl <= ib, ib < offs_excl + padded)
    lane = lax.broadcasted_iota(jnp.int32, (NBLK_PAD, E), 1).astype(f32)
    actf = act.astype(f32)
    bexp = (jnp.sum(actf * lane, axis=1, keepdims=True)
            + jnp.sum(actf, axis=1, keepdims=True) - 1.0)
    bexp_ref[...] = bexp.astype(jnp.int32)


def _ffn_body(blk_ref, xs_ref, we_ref, be_ref, wo_ref, bo_ref, out_ref):
    i = pl.program_id(0)
    e = blk_ref[i, 0]

    @pl.when(e >= 0)
    def _():
        f32 = jnp.float32
        w = we_ref[pl.ds(e, 1)].reshape(D, D)
        h = jnp.dot(xs_ref[...], w, preferred_element_type=f32)
        h = h + be_ref[pl.ds(e, 1), :]
        out_ref[...] = (jnp.dot(h, wo_ref[...], preferred_element_type=f32)
                        + bo_ref[...])


def _sc_scatter_body(x_hbm, dest_hbm, out_hbm, idx_v, rows_v, sem):
    wid = lax.axis_index("s") * NC + lax.axis_index("c")
    base = wid * TPW
    pltpu.sync_copy(dest_hbm.at[pl.ds(base, TPW)], idx_v)
    pltpu.sync_copy(x_hbm.at[pl.ds(base, TPW)], rows_v)
    pltpu.async_copy(rows_v, out_hbm.at[idx_v], sem).wait()


@functools.cache
def _sc_mesh():
    return plsc.VectorSubcoreMesh(
        core_axis_name="c", subcore_axis_name="s",
        num_cores=NC, num_subcores=NS)


def _router_call(x, Wr, br2):
    return pl.pallas_call(
        _router_body,
        out_shape=(
            jax.ShapeDtypeStruct((E, T), jnp.float32),
            jax.ShapeDtypeStruct((1, T), jnp.int32),
            jax.ShapeDtypeStruct((NBLK_PAD, 1), jnp.int32),
        ),
    )(x, Wr, br2)


def _scatter_call(x, dest):
    fn = pl.kernel(
        _sc_scatter_body,
        out_type=jax.ShapeDtypeStruct((NSLOT, D), jnp.float32),
        mesh=_sc_mesh(),
        scratch_types=[
            pltpu.VMEM((TPW,), jnp.int32),
            pltpu.VMEM((TPW, D), jnp.float32),
            pltpu.SemaphoreType.DMA,
        ],
    )
    return fn(x, dest)


def _ffn_call(bexp, xs, We, be, Wo, bo2):
    return pl.pallas_call(
        _ffn_body,
        grid=(NBLK,),
        in_specs=[
            pl.BlockSpec(memory_space=pltpu.SMEM),
            pl.BlockSpec((SB, D), lambda i: (i, 0)),
            pl.BlockSpec((E, D, D), lambda i: (0, 0, 0)),
            pl.BlockSpec((E, D), lambda i: (0, 0)),
            pl.BlockSpec((D, D), lambda i: (0, 0)),
            pl.BlockSpec((1, D), lambda i: (0, 0)),
        ],
        out_specs=pl.BlockSpec((SB, D), lambda i: (i, 0)),
        out_shape=jax.ShapeDtypeStruct((NSLOT, D), jnp.float32),
    )(bexp, xs, We, be, Wo, bo2)


def _sc_gather_body(slots_hbm, dest_hbm, out_hbm, idx_v, rows_v, sem):
    wid = lax.axis_index("s") * NC + lax.axis_index("c")
    base = wid * TPW
    pltpu.sync_copy(dest_hbm.at[pl.ds(base, TPW)], idx_v)
    pltpu.async_copy(slots_hbm.at[idx_v], rows_v, sem).wait()
    pltpu.sync_copy(rows_v, out_hbm.at[pl.ds(base, TPW)])


def _gather_call(slots, dest):
    fn = pl.kernel(
        _sc_gather_body,
        out_type=jax.ShapeDtypeStruct((T, D), jnp.float32),
        mesh=_sc_mesh(),
        scratch_types=[
            pltpu.VMEM((TPW,), jnp.int32),
            pltpu.VMEM((TPW, D), jnp.float32),
            pltpu.SemaphoreType.DMA,
        ],
    )
    return fn(slots, dest)


def kernel(x, Wr, br, We, be, Wo, bo):
    oh_t, dest2d, bexp2d = _router_call(x, Wr, br.reshape(1, E))
    routing_weights = oh_t.T
    dest = dest2d.reshape(T)
    xs = _scatter_call(x, dest)
    slots = _ffn_call(bexp2d, xs, We, be, Wo, bo.reshape(1, D))
    output = _gather_call(slots, dest)
    return (output, routing_weights)

# --- scband reference (transcript-rebuilt; emitter-appended) ---
"""Pipeline reference for scband-hard-mo-e-82016695484511 (READ-ONLY COPY).

The authoritative reference and input builder live on the scoring server;
editing this copy changes nothing except your own understanding.
"""

import jax, jax.numpy as jnp
import numpy as np

NUM_EXPERTS = 8
D_IN = 768
D_HID = 768
D_OUT = 768
N_TOK = 2048


def setup_inputs(seed: int = 0) -> dict:
    key = jax.random.key(seed)
    ks = jax.random.split(key, 8)
    x = jax.random.normal(ks[0], (N_TOK, D_IN), dtype=jnp.float32)
    Wr = jax.random.normal(ks[1], (D_IN, NUM_EXPERTS), dtype=jnp.float32) * 0.02
    br = jnp.zeros((NUM_EXPERTS,), dtype=jnp.float32)
    We = jax.random.normal(ks[2], (NUM_EXPERTS, D_IN, D_HID), dtype=jnp.float32) * 0.02
    be = jnp.zeros((NUM_EXPERTS, D_HID), dtype=jnp.float32)
    Wo = jax.random.normal(ks[3], (D_HID, D_OUT), dtype=jnp.float32) * 0.02
    bo = jnp.zeros((D_OUT,), dtype=jnp.float32)
    return {"x": x, "Wr": Wr, "br": br, "We": We, "be": be, "Wo": Wo, "bo": bo}


def reference(x, Wr, br, We, be, Wo, bo):
    # Router: hard argmax routing (top-1, deterministic)
    routing_logits = x @ Wr + br  # [T, E]
    expert_indices = jnp.argmax(routing_logits, axis=-1)  # [T]
    # Compute all expert linear outputs, then gather the selected one per token.
    # Mathematically identical to per-token hard dispatch in the torch loop.
    all_expert_out = jnp.einsum('td,edh->teh', x, We) + be[None, :, :]  # [T, E, H]
    expert_out = jnp.take_along_axis(all_expert_out, expert_indices[:, None, None], axis=1)[:, 0, :]  # [T, H]
    output = expert_out @ Wo + bo  # [T, D_OUT]
    routing_weights = jax.nn.one_hot(expert_indices, NUM_EXPERTS, dtype=jnp.float32)  # [T, E]
    return (output, routing_weights)

if __name__ == "__main__":
    import jax
    _d = setup_inputs()
    print(jax.jit(kernel)(*tuple(_d.values())))

</pallas_src>

<mosaic_0001>
#map = affine_map<(d0, d1) -> (0, 0)>
#map1 = affine_map<(d0, d1) -> (0)>
module attributes {stable_mosaic.version = 14 : i64} {
  func.func @_sc_gather_body(%arg0: i32, %arg1: i32, %arg2: memref<4096x768xf32, #tpu.memory_space<hbm>>, %arg3: memref<2048xi32, #tpu.memory_space<hbm>>, %arg4: memref<2048x768xf32, #tpu.memory_space<hbm>>, %arg5: memref<64xi32, #tpu.memory_space<vmem>>, %arg6: memref<64x768xf32, #tpu.memory_space<vmem>>, %arg7: memref<!tpu.dma_semaphore, #tpu.memory_space<semaphore_mem>>) attributes {dimension_semantics = [#tpu.dimension_semantics<core_parallel>, #tpu.dimension_semantics<subcore_parallel>], iteration_bounds = array<i64: 2, 16>, scalar_prefetch = 0 : i64, scratch_operands = 3 : i64, tpu.core_type = #tpu.core_type<sc_vector_subcore>, window_params = [{transform_indices = #map}, {transform_indices = #map1}, {transform_indices = #map}]} {
    %mul3A = arith.constant 2 : i32
    %mul3A_0 = arith.muli %arg1, %mul3A : i32
    %add3A = arith.addi %mul3A_0, %arg0 : i32
    %mul3A_1 = arith.constant 64 : i32
    %mul3A_2 = arith.muli %add3A, %mul3A_1 : i32
    "tpu.region"() ({
      %run_scoped3A = tpu.sem_alloc : memref<!tpu.dma_semaphore, #tpu.memory_space<semaphore_mem>>
      %dma_start3A_7 = tpu.memref_slice %arg3[%mul3A_2] : memref<2048xi32, #tpu.memory_space<hbm>> -> memref<64xi32, #tpu.memory_space<hbm>>
      %dma_start3A_8 = tpu.memref_slice %arg3[%mul3A_2] : memref<2048xi32, #tpu.memory_space<hbm>> -> memref<64xi32, #tpu.memory_space<hbm>>
      tpu.enqueue_dma source(%dma_start3A_8 : memref<64xi32, #tpu.memory_space<hbm>>) target(%arg5 : memref<64xi32, #tpu.memory_space<vmem>>) target_semaphore(%run_scoped3A : memref<!tpu.dma_semaphore, #tpu.memory_space<semaphore_mem>>)
      %dma_wait3A_9 = tpu.memref_slice %arg3[%mul3A_2] : memref<2048xi32, #tpu.memory_space<hbm>> -> memref<64xi32, #tpu.memory_space<hbm>>
      %dma_wait3A_10 = tpu.memref_slice %arg3[%mul3A_2] : memref<2048xi32, #tpu.memory_space<hbm>> -> memref<64xi32, #tpu.memory_space<hbm>>
      tpu.wait_dma2 semaphore(%run_scoped3A : memref<!tpu.dma_semaphore, #tpu.memory_space<semaphore_mem>>) src(%dma_wait3A_10 : memref<64xi32, #tpu.memory_space<hbm>>) dst(%arg5 : memref<64xi32, #tpu.memory_space<vmem>>)
      tpu.yield
    }) : () -> ()
    %dma_start3A = arith.constant 0 : i32
    %dma_start3A_3 = arith.constant 0 : i32
    %dma_start3A_4 = tpu.memref_slice %arg2[%dma_start3A, %dma_start3A_3] : memref<4096x768xf32, #tpu.memory_space<hbm>> -> memref<4096x768xf32, #tpu.memory_space<hbm>>
    tpu.enqueue_indirect_dma source(%dma_start3A_4 : memref<4096x768xf32, #tpu.memory_space<hbm>>) target(%arg6 : memref<64x768xf32, #tpu.memory_space<vmem>>) offsets(%arg5 : memref<64xi32, #tpu.memory_space<vmem>>) semaphore(%arg7 : memref<!tpu.dma_semaphore, #tpu.memory_space<semaphore_mem>>)
    %dma_wait3A = arith.constant 0 : i32
    %dma_wait3A_5 = arith.constant 0 : i32
    %dma_wait3A_6 = tpu.memref_slice %arg2[%dma_wait3A, %dma_wait3A_5] : memref<4096x768xf32, #tpu.memory_space<hbm>> -> memref<4096x768xf32, #tpu.memory_space<hbm>>
    tpu.wait_indirect_dma semaphore(%arg7 : memref<!tpu.dma_semaphore, #tpu.memory_space<semaphore_mem>>) src(%dma_wait3A_6 : memref<4096x768xf32, #tpu.memory_space<hbm>>) dst(%arg6 : memref<64x768xf32, #tpu.memory_space<vmem>>)
    "tpu.region"() ({
      %run_scoped3A = tpu.sem_alloc : memref<!tpu.dma_semaphore, #tpu.memory_space<semaphore_mem>>
      %dma_start3A_7 = arith.constant 0 : i32
      %dma_start3A_8 = tpu.memref_slice %arg4[%mul3A_2, %dma_start3A_7] : memref<2048x768xf32, #tpu.memory_space<hbm>> -> memref<64x768xf32, #tpu.memory_space<hbm>>
      %dma_start3A_9 = arith.constant 0 : i32
      %dma_start3A_10 = tpu.memref_slice %arg4[%mul3A_2, %dma_start3A_9] : memref<2048x768xf32, #tpu.memory_space<hbm>> -> memref<64x768xf32, #tpu.memory_space<hbm>>
      tpu.enqueue_dma source(%arg6 : memref<64x768xf32, #tpu.memory_space<vmem>>) target(%dma_start3A_10 : memref<64x768xf32, #tpu.memory_space<hbm>>) target_semaphore(%run_scoped3A : memref<!tpu.dma_semaphore, #tpu.memory_space<semaphore_mem>>)
      %dma_wait3A_11 = arith.constant 0 : i32
      %dma_wait3A_12 = tpu.memref_slice %arg4[%mul3A_2, %dma_wait3A_11] : memref<2048x768xf32, #tpu.memory_space<hbm>> -> memref<64x768xf32, #tpu.memory_space<hbm>>
      %dma_wait3A_13 = arith.constant 0 : i32
      %dma_wait3A_14 = tpu.memref_slice %arg4[%mul3A_2, %dma_wait3A_13] : memref<2048x768xf32, #tpu.memory_space<hbm>> -> memref<64x768xf32, #tpu.memory_space<hbm>>
      tpu.wait_dma2 semaphore(%run_scoped3A : memref<!tpu.dma_semaphore, #tpu.memory_space<semaphore_mem>>) src(%arg6 : memref<64x768xf32, #tpu.memory_space<vmem>>) dst(%dma_wait3A_14 : memref<64x768xf32, #tpu.memory_space<hbm>>)
      tpu.yield
    }) : () -> ()
    return
  }
}

#map = affine_map<(d0, d1) -> (0, 0)>
#map1 = affine_map<(d0, d1) -> (0)>
module attributes {stable_mosaic.version = 14 : i64} {
  func.func @_sc_scatter_body(%arg0: i32, %arg1: i32, %arg2: memref<2048x768xf32, #tpu.memory_space<hbm>>, %arg3: memref<2048xi32, #tpu.memory_space<hbm>>, %arg4: memref<4096x768xf32, #tpu.memory_space<hbm>>, %arg5: memref<64xi32, #tpu.memory_space<vmem>>, %arg6: memref<64x768xf32, #tpu.memory_space<vmem>>, %arg7: memref<!tpu.dma_semaphore, #tpu.memory_space<semaphore_mem>>) attributes {dimension_semantics = [#tpu.dimension_semantics<core_parallel>, #tpu.dimension_semantics<subcore_parallel>], iteration_bounds = array<i64: 2, 16>, scalar_prefetch = 0 : i64, scratch_operands = 3 : i64, tpu.core_type = #tpu.core_type<sc_vector_subcore>, window_params = [{transform_indices = #map}, {transform_indices = #map1}, {transform_indices = #map}]} {
    %mul3A = arith.constant 2 : i32
    %mul3A_0 = arith.muli %arg1, %mul3A : i32
    %add3A = arith.addi %mul3A_0, %arg0 : i32
    %mul3A_1 = arith.constant 64 : i32
    %mul3A_2 = arith.muli %add3A, %mul3A_1 : i32
    "tpu.region"() ({
      %run_scoped3A = tpu.sem_alloc : memref<!tpu.dma_semaphore, #tpu.memory_space<semaphore_mem>>
      %dma_start3A_7 = tpu.memref_slice %arg3[%mul3A_2] : memref<2048xi32, #tpu.memory_space<hbm>> -> memref<64xi32, #tpu.memory_space<hbm>>
      %dma_start3A_8 = tpu.memref_slice %arg3[%mul3A_2] : memref<2048xi32, #tpu.memory_space<hbm>> -> memref<64xi32, #tpu.memory_space<hbm>>
      tpu.enqueue_dma source(%dma_start3A_8 : memref<64xi32, #tpu.memory_space<hbm>>) target(%arg5 : memref<64xi32, #tpu.memory_space<vmem>>) target_semaphore(%run_scoped3A : memref<!tpu.dma_semaphore, #tpu.memory_space<semaphore_mem>>)
      %dma_wait3A_9 = tpu.memref_slice %arg3[%mul3A_2] : memref<2048xi32, #tpu.memory_space<hbm>> -> memref<64xi32, #tpu.memory_space<hbm>>
      %dma_wait3A_10 = tpu.memref_slice %arg3[%mul3A_2] : memref<2048xi32, #tpu.memory_space<hbm>> -> memref<64xi32, #tpu.memory_space<hbm>>
      tpu.wait_dma2 semaphore(%run_scoped3A : memref<!tpu.dma_semaphore, #tpu.memory_space<semaphore_mem>>) src(%dma_wait3A_10 : memref<64xi32, #tpu.memory_space<hbm>>) dst(%arg5 : memref<64xi32, #tpu.memory_space<vmem>>)
      tpu.yield
    }) : () -> ()
    "tpu.region"() ({
      %run_scoped3A = tpu.sem_alloc : memref<!tpu.dma_semaphore, #tpu.memory_space<semaphore_mem>>
      %dma_start3A_7 = arith.constant 0 : i32
      %dma_start3A_8 = tpu.memref_slice %arg2[%mul3A_2, %dma_start3A_7] : memref<2048x768xf32, #tpu.memory_space<hbm>> -> memref<64x768xf32, #tpu.memory_space<hbm>>
      %dma_start3A_9 = arith.constant 0 : i32
      %dma_start3A_10 = tpu.memref_slice %arg2[%mul3A_2, %dma_start3A_9] : memref<2048x768xf32, #tpu.memory_space<hbm>> -> memref<64x768xf32, #tpu.memory_space<hbm>>
      tpu.enqueue_dma source(%dma_start3A_10 : memref<64x768xf32, #tpu.memory_space<hbm>>) target(%arg6 : memref<64x768xf32, #tpu.memory_space<vmem>>) target_semaphore(%run_scoped3A : memref<!tpu.dma_semaphore, #tpu.memory_space<semaphore_mem>>)
      %dma_wait3A_11 = arith.constant 0 : i32
      %dma_wait3A_12 = tpu.memref_slice %arg2[%mul3A_2, %dma_wait3A_11] : memref<2048x768xf32, #tpu.memory_space<hbm>> -> memref<64x768xf32, #tpu.memory_space<hbm>>
      %dma_wait3A_13 = arith.constant 0 : i32
      %dma_wait3A_14 = tpu.memref_slice %arg2[%mul3A_2, %dma_wait3A_13] : memref<2048x768xf32, #tpu.memory_space<hbm>> -> memref<64x768xf32, #tpu.memory_space<hbm>>
      tpu.wait_dma2 semaphore(%run_scoped3A : memref<!tpu.dma_semaphore, #tpu.memory_space<semaphore_mem>>) src(%dma_wait3A_14 : memref<64x768xf32, #tpu.memory_space<hbm>>) dst(%arg6 : memref<64x768xf32, #tpu.memory_space<vmem>>)
      tpu.yield
    }) : () -> ()
    %dma_start3A = arith.constant 0 : i32
    %dma_start3A_3 = arith.constant 0 : i32
    %dma_start3A_4 = tpu.memref_slice %arg4[%dma_start3A, %dma_start3A_3] : memref<4096x768xf32, #tpu.memory_space<hbm>> -> memref<4096x768xf32, #tpu.memory_space<hbm>>
    tpu.enqueue_indirect_dma source(%arg6 : memref<64x768xf32, #tpu.memory_space<vmem>>) target(%dma_start3A_4 : memref<4096x768xf32, #tpu.memory_space<hbm>>) offsets(%arg5 : memref<64xi32, #tpu.memory_space<vmem>>) semaphore(%arg7 : memref<!tpu.dma_semaphore, #tpu.memory_space<semaphore_mem>>)
    %dma_wait3A = arith.constant 0 : i32
    %dma_wait3A_5 = arith.constant 0 : i32
    %dma_wait3A_6 = tpu.memref_slice %arg4[%dma_wait3A, %dma_wait3A_5] : memref<4096x768xf32, #tpu.memory_space<hbm>> -> memref<4096x768xf32, #tpu.memory_space<hbm>>
    tpu.wait_indirect_dma semaphore(%arg7 : memref<!tpu.dma_semaphore, #tpu.memory_space<semaphore_mem>>) src(%arg6 : memref<64x768xf32, #tpu.memory_space<vmem>>) dst(%dma_wait3A_6 : memref<4096x768xf32, #tpu.memory_space<hbm>>)
    return
  }
}

module attributes {stable_mosaic.version = 14 : i64} {
  func.func @_ffn_body(%arg0: i32, %arg1: memref<32x1xi32, #tpu.memory_space<smem>>, %arg2: memref<256x768xf32, #tpu.memory_space<vmem>>, %arg3: memref<8x768x768xf32, #tpu.memory_space<vmem>>, %arg4: memref<8x768xf32, #tpu.memory_space<vmem>>, %arg5: memref<768x768xf32, #tpu.memory_space<vmem>>, %arg6: memref<1x768xf32, #tpu.memory_space<vmem>>, %arg7: memref<256x768xf32, #tpu.memory_space<vmem>>) attributes {dimension_semantics = [#tpu.dimension_semantics<arbitrary>], iteration_bounds = array<i64: 16>, scalar_prefetch = 0 : i64, scratch_operands = 0 : i64, tpu.core_type = #tpu.core_type<tc>, window_params = [{transform_indices = @transform_0, window_bounds = array<i64: 32, 1>}, {transform_indices = @transform_1, window_bounds = array<i64: 256, 768>}, {pipeline_mode = #tpu.pipeline_mode<synchronous>, transform_indices = @transform_2, window_bounds = array<i64: 8, 768, 768>}, {pipeline_mode = #tpu.pipeline_mode<synchronous>, transform_indices = @transform_3, window_bounds = array<i64: 8, 768>}, {pipeline_mode = #tpu.pipeline_mode<synchronous>, transform_indices = @transform_4, window_bounds = array<i64: 768, 768>}, {pipeline_mode = #tpu.pipeline_mode<synchronous>, transform_indices = @transform_5, window_bounds = array<i64: 1, 768>}, {transform_indices = @transform_6, window_bounds = array<i64: 256, 768>}]} {
    %get3A = arith.index_cast %arg0 : i32 to index
    %get3A_0 = arith.constant 0 : index
    %get3A_1 = memref.load %arg1[%get3A, %get3A_0] : memref<32x1xi32, #tpu.memory_space<smem>>
    %ge3A = arith.constant 0 : i32
    %ge3A_2 = arith.cmpi sge, %get3A_1, %ge3A : i32
    %convert_element_type3A = arith.extui %ge3A_2 : i1 to i32
    %cond3A = arith.constant 0 : i32
    %cond3A_3 = arith.cmpi ne, %convert_element_type3A, %cond3A : i32
    scf.if %cond3A_3 {
      %get3A_4 = arith.index_cast %get3A_1 : i32 to index
      %get3A_5 = arith.constant 0 : index
      %get3A_6 = arith.constant 0 : index
      %get3A_7 = vector.load %arg3[%get3A_4, %get3A_5, %get3A_6] : memref<8x768x768xf32, #tpu.memory_space<vmem>>, vector<1x768x768xf32>
      %reshape3A = vector.shape_cast %get3A_7 : vector<1x768x768xf32> to vector<768x768xf32>
      %get3A_8 = arith.constant 0 : index
      %get3A_9 = arith.constant 0 : index
      %get3A_10 = vector.load %arg2[%get3A_8, %get3A_9] : memref<256x768xf32, #tpu.memory_space<vmem>>, vector<256x768xf32>
      %dot_general3A = arith.constant dense<0.000000e+00> : vector<256x768xf32>
      %dot_general3A_11 = tpu.matmul %get3A_10, %reshape3A, %dot_general3A {dimension_numbers = #tpu.dot_dimension_numbers<[1], [0], [0], [1], [0, 0, 1, 1], [], []>, transpose_lhs_hint = false} : vector<256x768xf32>, vector<768x768xf32>, vector<256x768xf32> -> vector<256x768xf32>
      %get3A_12 = arith.index_cast %get3A_1 : i32 to index
      %get3A_13 = arith.constant 0 : index
      %get3A_14 = vector.load %arg4[%get3A_12, %get3A_13] : memref<8x768xf32, #tpu.memory_space<vmem>>, vector<1x768xf32>
      %add3A = vector.broadcast %get3A_14 : vector<1x768xf32> to vector<256x768xf32>
      %add3A_15 = arith.addf %dot_general3A_11, %add3A : vector<256x768xf32>
      %get3A_16 = arith.constant 0 : index
      %get3A_17 = arith.constant 0 : index
      %get3A_18 = vector.load %arg5[%get3A_16, %get3A_17] : memref<768x768xf32, #tpu.memory_space<vmem>>, vector<768x768xf32>
      %dot_general3A_19 = arith.constant dense<0.000000e+00> : vector<256x768xf32>
      %dot_general3A_20 = tpu.matmul %add3A_15, %get3A_18, %dot_general3A_19 {dimension_numbers = #tpu.dot_dimension_numbers<[1], [0], [0], [1], [0, 0, 1, 1], [], []>, transpose_lhs_hint = false} : vector<256x768xf32>, vector<768x768xf32>, vector<256x768xf32> -> vector<256x768xf32>
      %get3A_21 = arith.constant 0 : index
      %get3A_22 = arith.constant 0 : index
      %get3A_23 = vector.load %arg6[%get3A_21, %get3A_22] : memref<1x768xf32, #tpu.memory_space<vmem>>, vector<1x768xf32>
      %add3A_24 = vector.broadcast %get3A_23 : vector<1x768xf32> to vector<256x768xf32>
      %add3A_25 = arith.addf %dot_general3A_20, %add3A_24 : vector<256x768xf32>
      %swap3A = arith.constant 0 : index
      %swap3A_26 = arith.constant 0 : index
      %swap3A_27 = vector.load %arg7[%swap3A, %swap3A_26] : memref<256x768xf32, #tpu.memory_space<vmem>>, vector<256x768xf32>
      tpu.vector_store %arg7[%swap3A, %swap3A_26], %add3A_25 {strides = array<i32>} : memref<256x768xf32, #tpu.memory_space<vmem>>, vector<256x768xf32>,
    } else {
    }
    return
  }
  func.func @transform_0(%arg0: i32) -> (i32, i32) {
    %c0_i32 = arith.constant 0 : i32
    %c0_i32_0 = arith.constant 0 : i32
    %c0_i32_1 = arith.constant 0 : i32
    return %c0_i32, %c0_i32_0 : i32, i32
  }
  func.func @transform_1(%arg0: i32) -> (i32, i32) {
    %c0_i32 = arith.constant 0 : i32
    %c0_i32_0 = arith.constant 0 : i32
    return %arg0, %c0_i32 : i32, i32
  }
  func.func @transform_2(%arg0: i32) -> (i32, i32, i32) {
    %c0_i32 = arith.constant 0 : i32
    %c0_i32_0 = arith.constant 0 : i32
    %c0_i32_1 = arith.constant 0 : i32
    %c0_i32_2 = arith.constant 0 : i32
    return %c0_i32, %c0_i32_0, %c0_i32_1 : i32, i32, i32
  }
  func.func @transform_3(%arg0: i32) -> (i32, i32) {
    %c0_i32 = arith.constant 0 : i32
    %c0_i32_0 = arith.constant 0 : i32
    %c0_i32_1 = arith.constant 0 : i32
    return %c0_i32, %c0_i32_0 : i32, i32
  }
  func.func @transform_4(%arg0: i32) -> (i32, i32) {
    %c0_i32 = arith.constant 0 : i32
    %c0_i32_0 = arith.constant 0 : i32
    %c0_i32_1 = arith.constant 0 : i32
    return %c0_i32, %c0_i32_0 : i32, i32
  }
  func.func @transform_5(%arg0: i32) -> (i32, i32) {
    %c0_i32 = arith.constant 0 : i32
    %c0_i32_0 = arith.constant 0 : i32
    %c0_i32_1 = arith.constant 0 : i32
    return %c0_i32, %c0_i32_0 : i32, i32
  }
  func.func @transform_6(%arg0: i32) -> (i32, i32) {
    %c0_i32 = arith.constant 0 : i32
    %c0_i32_0 = arith.constant 0 : i32
    return %arg0, %c0_i32 : i32, i32
  }
}

module attributes {stable_mosaic.version = 14 : i64} {
  func.func @_router_body(%arg0: memref<2048x768xf32, #tpu.memory_space<vmem>>, %arg1: memref<768x8xf32, #tpu.memory_space<vmem>>, %arg2: memref<1x8xf32, #tpu.memory_space<vmem>>, %arg3: memref<8x2048xf32, #tpu.memory_space<vmem>>, %arg4: memref<1x2048xi32, #tpu.memory_space<vmem>>, %arg5: memref<32x1xi32, #tpu.memory_space<vmem>>) attributes {dimension_semantics = [], scalar_prefetch = 0 : i64, scratch_operands = 0 : i64, tpu.core_type = #tpu.core_type<tc>} {
    %get3A = arith.constant 0 : index
    %get3A_0 = arith.constant 0 : index
    %get3A_1 = vector.load %arg0[%get3A, %get3A_0] : memref<2048x768xf32, #tpu.memory_space<vmem>>, vector<2048x768xf32>
    %get3A_2 = arith.constant 0 : index
    %get3A_3 = arith.constant 0 : index
    %get3A_4 = vector.load %arg1[%get3A_2, %get3A_3] : memref<768x8xf32, #tpu.memory_space<vmem>>, vector<768x8xf32>
    %dot_general3A = arith.constant dense<0.000000e+00> : vector<2048x8xf32>
    %dot_general3A_5 = tpu.matmul %get3A_1, %get3A_4, %dot_general3A {dimension_numbers = #tpu.dot_dimension_numbers<[1], [0], [0], [1], [0, 0, 1, 1], [], []>, transpose_lhs_hint = false} : vector<2048x768xf32>, vector<768x8xf32>, vector<2048x8xf32> -> vector<2048x8xf32>
    %get3A_6 = arith.constant 0 : index
    %get3A_7 = arith.constant 0 : index
    %get3A_8 = vector.load %arg2[%get3A_6, %get3A_7] : memref<1x8xf32, #tpu.memory_space<vmem>>, vector<1x8xf32>
    %add3A = vector.broadcast %get3A_8 : vector<1x8xf32> to vector<2048x8xf32>
    %add3A_9 = arith.addf %dot_general3A_5, %add3A : vector<2048x8xf32>
    %reduce_max3A = arith.constant dense<0xFF800000> : vector<2048xf32>
    %reduce_max3A_10 = vector.multi_reduction <maximumf>, %add3A_9, %reduce_max3A [1] : vector<2048x8xf32> to vector<2048xf32>
    %broadcast_in_dim3A = vector.shape_cast %reduce_max3A_10 : vector<2048xf32> to vector<2048x1xf32>
    %iota3A = tpu.iota {dimensions = array<i32: 1>} : vector<2048x8xi32>
    %convert_element_type3A = arith.sitofp %iota3A : vector<2048x8xi32> to vector<2048x8xf32>
    %eq3A = vector.broadcast %broadcast_in_dim3A : vector<2048x1xf32> to vector<2048x8xf32>
    %eq3A_11 = arith.cmpf oeq, %add3A_9, %eq3A : vector<2048x8xf32>
    %jit3A = arith.constant 1.000000e+09 : f32
    %broadcast_in_dim3A_12 = vector.broadcast %jit3A : f32 to vector<2048x8xf32>
    %select_n3A = arith.select %eq3A_11, %convert_element_type3A, %broadcast_in_dim3A_12 : vector<2048x8xi1>, vector<2048x8xf32>
    %reduce_min3A = arith.constant dense<0x7F800000> : vector<2048xf32>
    %reduce_min3A_13 = vector.multi_reduction <minimumf>, %select_n3A, %reduce_min3A [1] : vector<2048x8xf32> to vector<2048xf32>
    %broadcast_in_dim3A_14 = vector.shape_cast %reduce_min3A_13 : vector<2048xf32> to vector<2048x1xf32>
    %eq3A_15 = vector.broadcast %broadcast_in_dim3A_14 : vector<2048x1xf32> to vector<2048x8xf32>
    %eq3A_16 = arith.cmpf oeq, %convert_element_type3A, %eq3A_15 : vector<2048x8xf32>
    %convert_element_type3A_17 = arith.extui %eq3A_16 : vector<2048x8xi1> to vector<2048x8xi32>
    %convert_element_type3A_18 = arith.sitofp %convert_element_type3A_17 : vector<2048x8xi32> to vector<2048x8xf32>
    %transpose3A = tpu.transpose %broadcast_in_dim3A_14, [1, 0] : vector<2048x1xf32> -> vector<1x2048xf32>
    %iota3A_19 = tpu.iota {dimensions = array<i32: 0>} : vector<8x2048xi32>
    %convert_element_type3A_20 = arith.sitofp %iota3A_19 : vector<8x2048xi32> to vector<8x2048xf32>
    %eq3A_21 = vector.broadcast %transpose3A : vector<1x2048xf32> to vector<8x2048xf32>
    %eq3A_22 = arith.cmpf oeq, %convert_element_type3A_20, %eq3A_21 : vector<8x2048xf32>
    %convert_element_type3A_23 = arith.extui %eq3A_22 : vector<8x2048xi1> to vector<8x2048xi32>
    %convert_element_type3A_24 = arith.sitofp %convert_element_type3A_23 : vector<8x2048xi32> to vector<8x2048xf32>
    %swap3A = arith.constant 0 : index
    %swap3A_25 = arith.constant 0 : index
    %swap3A_26 = vector.load %arg3[%swap3A, %swap3A_25] : memref<8x2048xf32, #tpu.memory_space<vmem>>, vector<8x2048xf32>
    tpu.vector_store %arg3[%swap3A, %swap3A_25], %convert_element_type3A_24 {strides = array<i32>} : memref<8x2048xf32, #tpu.memory_space<vmem>>, vector<8x2048xf32>,
    %iota3A_27 = tpu.iota {dimensions = array<i32: 0>} : vector<16x2048xi32>
    %iota3A_28 = tpu.iota {dimensions = array<i32: 1>} : vector<16x2048xi32>
    %shift_right_logical3A = arith.constant 7 : i32
    %shift_right_logical3A_29 = vector.broadcast %shift_right_logical3A : i32 to vector<16x2048xi32>
    %shift_right_logical3A_30 = arith.shrui %iota3A_28, %shift_right_logical3A_29 : vector<16x2048xi32>
    %eq3A_31 = arith.cmpi eq, %iota3A_27, %shift_right_logical3A_30 : vector<16x2048xi32>
    %convert_element_type3A_32 = arith.extui %eq3A_31 : vector<16x2048xi1> to vector<16x2048xi32>
    %convert_element_type3A_33 = arith.sitofp %convert_element_type3A_32 : vector<16x2048xi32> to vector<16x2048xf32>
    %dot_general3A_34 = arith.constant dense<0.000000e+00> : vector<16x8xf32>
    %dot_general3A_35 = tpu.matmul %convert_element_type3A_33, %convert_element_type3A_18, %dot_general3A_34 {dimension_numbers = #tpu.dot_dimension_numbers<[1], [0], [0], [1], [0, 0, 1, 1], [], []>, transpose_lhs_hint = false} : vector<16x2048xf32>, vector<2048x8xf32>, vector<16x8xf32> -> vector<16x8xf32>
    %iota3A_36 = tpu.iota {dimensions = array<i32: 0>} : vector<16x16xi32>
    %iota3A_37 = tpu.iota {dimensions = array<i32: 1>} : vector<16x16xi32>
    %gt3A = arith.cmpi sgt, %iota3A_36, %iota3A_37 : vector<16x16xi32>
    %convert_element_type3A_38 = arith.extui %gt3A : vector<16x16xi1> to vector<16x16xi32>
    %convert_element_type3A_39 = arith.sitofp %convert_element_type3A_38 : vector<16x16xi32> to vector<16x16xf32>
    %dot_general3A_40 = arith.constant dense<0.000000e+00> : vector<16x8xf32>
    %dot_general3A_41 = tpu.matmul %convert_element_type3A_39, %dot_general3A_35, %dot_general3A_40 {dimension_numbers = #tpu.dot_dimension_numbers<[1], [0], [0], [1], [0, 0, 1, 1], [], []>, transpose_lhs_hint = false} : vector<16x16xf32>, vector<16x8xf32>, vector<16x8xf32> -> vector<16x8xf32>
    %iota3A_42 = tpu.iota {dimensions = array<i32: 0>} : vector<128x128xi32>
    %iota3A_43 = tpu.iota {dimensions = array<i32: 1>} : vector<128x128xi32>
    %ge3A = arith.cmpi sge, %iota3A_42, %iota3A_43 : vector<128x128xi32>
    %convert_element_type3A_44 = arith.extui %ge3A : vector<128x128xi1> to vector<128x128xi32>
    %convert_element_type3A_45 = arith.sitofp %convert_element_type3A_44 : vector<128x128xi32> to vector<128x128xf32>
    %slice3A = vector.extract_strided_slice %convert_element_type3A_18 {offsets = [0, 0], sizes = [128, 8], strides = [1, 1]} : vector<2048x8xf32> to vector<128x8xf32>
    %dot_general3A_46 = arith.constant dense<0.000000e+00> : vector<128x8xf32>
    %dot_general3A_47 = tpu.matmul %convert_element_type3A_45, %slice3A, %dot_general3A_46 {dimension_numbers = #tpu.dot_dimension_numbers<[1], [0], [0], [1], [0, 0, 1, 1], [], []>, transpose_lhs_hint = false} : vector<128x128xf32>, vector<128x8xf32>, vector<128x8xf32> -> vector<128x8xf32>
    %slice3A_48 = vector.extract_strided_slice %dot_general3A_41 {offsets = [0, 0], sizes = [1, 8], strides = [1, 1]} : vector<16x8xf32> to vector<1x8xf32>
    %add3A_49 = vector.broadcast %slice3A_48 : vector<1x8xf32> to vector<128x8xf32>
    %add3A_50 = arith.addf %dot_general3A_47, %add3A_49 : vector<128x8xf32>
    %slice3A_51 = vector.extract_strided_slice %convert_element_type3A_18 {offsets = [128, 0], sizes = [128, 8], strides = [1, 1]} : vector<2048x8xf32> to vector<128x8xf32>
    %dot_general3A_52 = arith.constant dense<0.000000e+00> : vector<128x8xf32>
    %dot_general3A_53 = tpu.matmul %convert_element_type3A_45, %slice3A_51, %dot_general3A_52 {dimension_numbers = #tpu.dot_dimension_numbers<[1], [0], [0], [1], [0, 0, 1, 1], [], []>, transpose_lhs_hint = false} : vector<128x128xf32>, vector<128x8xf32>, vector<128x8xf32> -> vector<128x8xf32>
    %slice3A_54 = vector.extract_strided_slice %dot_general3A_41 {offsets = [1, 0], sizes = [1, 8], strides = [1, 1]} : vector<16x8xf32> to vector<1x8xf32>
    %add3A_55 = vector.broadcast %slice3A_54 : vector<1x8xf32> to vector<128x8xf32>
    %add3A_56 = arith.addf %dot_general3A_53, %add3A_55 : vector<128x8xf32>
    %slice3A_57 = vector.extract_strided_slice %convert_element_type3A_18 {offsets = [256, 0], sizes = [128, 8], strides = [1, 1]} : vector<2048x8xf32> to vector<128x8xf32>
    %dot_general3A_58 = arith.constant dense<0.000000e+00> : vector<128x8xf32>
    %dot_general3A_59 = tpu.matmul %convert_element_type3A_45, %slice3A_57, %dot_general3A_58 {dimension_numbers = #tpu.dot_dimension_numbers<[1], [0], [0], [1], [0, 0, 1, 1], [], []>, transpose_lhs_hint = false} : vector<128x128xf32>, vector<128x8xf32>, vector<128x8xf32> -> vector<128x8xf32>
    %slice3A_60 = vector.extract_strided_slice %dot_general3A_41 {offsets = [2, 0], sizes = [1, 8], strides = [1, 1]} : vector<16x8xf32> to vector<1x8xf32>
    %add3A_61 = vector.broadcast %slice3A_60 : vector<1x8xf32> to vector<128x8xf32>
    %add3A_62 = arith.addf %dot_general3A_59, %add3A_61 : vector<128x8xf32>
    %slice3A_63 = vector.extract_strided_slice %convert_element_type3A_18 {offsets = [384, 0], sizes = [128, 8], strides = [1, 1]} : vector<2048x8xf32> to vector<128x8xf32>
    %dot_general3A_64 = arith.constant dense<0.000000e+00> : vector<128x8xf32>
    %dot_general3A_65 = tpu.matmul %convert_element_type3A_45, %slice3A_63, %dot_general3A_64 {dimension_numbers = #tpu.dot_dimension_numbers<[1], [0], [0], [1], [0, 0, 1, 1], [], []>, transpose_lhs_hint = false} : vector<128x128xf32>, vector<128x8xf32>, vector<128x8xf32> -> vector<128x8xf32>
    %slice3A_66 = vector.extract_strided_slice %dot_general3A_41 {offsets = [3, 0], sizes = [1, 8], strides = [1, 1]} : vector<16x8xf32> to vector<1x8xf32>
    %add3A_67 = vector.broadcast %slice3A_66 : vector<1x8xf32> to vector<128x8xf32>
    %add3A_68 = arith.addf %dot_general3A_65, %add3A_67 : vector<128x8xf32>
    %slice3A_69 = vector.extract_strided_slice %convert_element_type3A_18 {offsets = [512, 0], sizes = [128, 8], strides = [1, 1]} : vector<2048x8xf32> to vector<128x8xf32>
    %dot_general3A_70 = arith.constant dense<0.000000e+00> : vector<128x8xf32>
    %dot_general3A_71 = tpu.matmul %convert_element_type3A_45, %slice3A_69, %dot_general3A_70 {dimension_numbers = #tpu.dot_dimension_numbers<[1], [0], [0], [1], [0, 0, 1, 1], [], []>, transpose_lhs_hint = false} : vector<128x128xf32>, vector<128x8xf32>, vector<128x8xf32> -> vector<128x8xf32>
    %slice3A_72 = vector.extract_strided_slice %dot_general3A_41 {offsets = [4, 0], sizes = [1, 8], strides = [1, 1]} : vector<16x8xf32> to vector<1x8xf32>
    %add3A_73 = vector.broadcast %slice3A_72 : vector<1x8xf32> to vector<128x8xf32>
    %add3A_74 = arith.addf %dot_general3A_71, %add3A_73 : vector<128x8xf32>
    %slice3A_75 = vector.extract_strided_slice %convert_element_type3A_18 {offsets = [640, 0], sizes = [128, 8], strides = [1, 1]} : vector<2048x8xf32> to vector<128x8xf32>
    %dot_general3A_76 = arith.constant dense<0.000000e+00> : vector<128x8xf32>
    %dot_general3A_77 = tpu.matmul %convert_element_type3A_45, %slice3A_75, %dot_general3A_76 {dimension_numbers = #tpu.dot_dimension_numbers<[1], [0], [0], [1], [0, 0, 1, 1], [], []>, transpose_lhs_hint = false} : vector<128x128xf32>, vector<128x8xf32>, vector<128x8xf32> -> vector<128x8xf32>
    %slice3A_78 = vector.extract_strided_slice %dot_general3A_41 {offsets = [5, 0], sizes = [1, 8], strides = [1, 1]} : vector<16x8xf32> to vector<1x8xf32>
    %add3A_79 = vector.broadcast %slice3A_78 : vector<1x8xf32> to vector<128x8xf32>
    %add3A_80 = arith.addf %dot_general3A_77, %add3A_79 : vector<128x8xf32>
    %slice3A_81 = vector.extract_strided_slice %convert_element_type3A_18 {offsets = [768, 0], sizes = [128, 8], strides = [1, 1]} : vector<2048x8xf32> to vector<128x8xf32>
    %dot_general3A_82 = arith.constant dense<0.000000e+00> : vector<128x8xf32>
    %dot_general3A_83 = tpu.matmul %convert_element_type3A_45, %slice3A_81, %dot_general3A_82 {dimension_numbers = #tpu.dot_dimension_numbers<[1], [0], [0], [1], [0, 0, 1, 1], [], []>, transpose_lhs_hint = false} : vector<128x128xf32>, vector<128x8xf32>, vector<128x8xf32> -> vector<128x8xf32>
    %slice3A_84 = vector.extract_strided_slice %dot_general3A_41 {offsets = [6, 0], sizes = [1, 8], strides = [1, 1]} : vector<16x8xf32> to vector<1x8xf32>
    %add3A_85 = vector.broadcast %slice3A_84 : vector<1x8xf32> to vector<128x8xf32>
    %add3A_86 = arith.addf %dot_general3A_83, %add3A_85 : vector<128x8xf32>
    %slice3A_87 = vector.extract_strided_slice %convert_element_type3A_18 {offsets = [896, 0], sizes = [128, 8], strides = [1, 1]} : vector<2048x8xf32> to vector<128x8xf32>
    %dot_general3A_88 = arith.constant dense<0.000000e+00> : vector<128x8xf32>
    %dot_general3A_89 = tpu.matmul %convert_element_type3A_45, %slice3A_87, %dot_general3A_88 {dimension_numbers = #tpu.dot_dimension_numbers<[1], [0], [0], [1], [0, 0, 1, 1], [], []>, transpose_lhs_hint = false} : vector<128x128xf32>, vector<128x8xf32>, vector<128x8xf32> -> vector<128x8xf32>
    %slice3A_90 = vector.extract_strided_slice %dot_general3A_41 {offsets = [7, 0], sizes = [1, 8], strides = [1, 1]} : vector<16x8xf32> to vector<1x8xf32>
    %add3A_91 = vector.broadcast %slice3A_90 : vector<1x8xf32> to vector<128x8xf32>
    %add3A_92 = arith.addf %dot_general3A_89, %add3A_91 : vector<128x8xf32>
    %slice3A_93 = vector.extract_strided_slice %convert_element_type3A_18 {offsets = [1024, 0], sizes = [128, 8], strides = [1, 1]} : vector<2048x8xf32> to vector<128x8xf32>
    %dot_general3A_94 = arith.constant dense<0.000000e+00> : vector<128x8xf32>
    %dot_general3A_95 = tpu.matmul %convert_element_type3A_45, %slice3A_93, %dot_general3A_94 {dimension_numbers = #tpu.dot_dimension_numbers<[1], [0], [0], [1], [0, 0, 1, 1], [], []>, transpose_lhs_hint = false} : vector<128x128xf32>, vector<128x8xf32>, vector<128x8xf32> -> vector<128x8xf32>
    %slice3A_96 = vector.extract_strided_slice %dot_general3A_41 {offsets = [8, 0], sizes = [1, 8], strides = [1, 1]} : vector<16x8xf32> to vector<1x8xf32>
    %add3A_97 = vector.broadcast %slice3A_96 : vector<1x8xf32> to vector<128x8xf32>
    %add3A_98 = arith.addf %dot_general3A_95, %add3A_97 : vector<128x8xf32>
    %slice3A_99 = vector.extract_strided_slice %convert_element_type3A_18 {offsets = [1152, 0], sizes = [128, 8], strides = [1, 1]} : vector<2048x8xf32> to vector<128x8xf32>
    %dot_general3A_100 = arith.constant dense<0.000000e+00> : vector<128x8xf32>
    %dot_general3A_101 = tpu.matmul %convert_element_type3A_45, %slice3A_99, %dot_general3A_100 {dimension_numbers = #tpu.dot_dimension_numbers<[1], [0], [0], [1], [0, 0, 1, 1], [], []>, transpose_lhs_hint = false} : vector<128x128xf32>, vector<128x8xf32>, vector<128x8xf32> -> vector<128x8xf32>
    %slice3A_102 = vector.extract_strided_slice %dot_general3A_41 {offsets = [9, 0], sizes = [1, 8], strides = [1, 1]} : vector<16x8xf32> to vector<1x8xf32>
    %add3A_103 = vector.broadcast %slice3A_102 : vector<1x8xf32> to vector<128x8xf32>
    %add3A_104 = arith.addf %dot_general3A_101, %add3A_103 : vector<128x8xf32>
    %slice3A_105 = vector.extract_strided_slice %convert_element_type3A_18 {offsets = [1280, 0], sizes = [128, 8], strides = [1, 1]} : vector<2048x8xf32> to vector<128x8xf32>
    %dot_general3A_106 = arith.constant dense<0.000000e+00> : vector<128x8xf32>
    %dot_general3A_107 = tpu.matmul %convert_element_type3A_45, %slice3A_105, %dot_general3A_106 {dimension_numbers = #tpu.dot_dimension_numbers<[1], [0], [0], [1], [0, 0, 1, 1], [], []>, transpose_lhs_hint = false} : vector<128x128xf32>, vector<128x8xf32>, vector<128x8xf32> -> vector<128x8xf32>
    %slice3A_108 = vector.extract_strided_slice %dot_general3A_41 {offsets = [10, 0], sizes = [1, 8], strides = [1, 1]} : vector<16x8xf32> to vector<1x8xf32>
    %add3A_109 = vector.broadcast %slice3A_108 : vector<1x8xf32> to vector<128x8xf32>
    %add3A_110 = arith.addf %dot_general3A_107, %add3A_109 : vector<128x8xf32>
    %slice3A_111 = vector.extract_strided_slice %convert_element_type3A_18 {offsets = [1408, 0], sizes = [128, 8], strides = [1, 1]} : vector<2048x8xf32> to vector<128x8xf32>
    %dot_general3A_112 = arith.constant dense<0.000000e+00> : vector<128x8xf32>
    %dot_general3A_113 = tpu.matmul %convert_element_type3A_45, %slice3A_111, %dot_general3A_112 {dimension_numbers = #tpu.dot_dimension_numbers<[1], [0], [0], [1], [0, 0, 1, 1], [], []>, transpose_lhs_hint = false} : vector<128x128xf32>, vector<128x8xf32>, vector<128x8xf32> -> vector<128x8xf32>
    %slice3A_114 = vector.extract_strided_slice %dot_general3A_41 {offsets = [11, 0], sizes = [1, 8], strides = [1, 1]} : vector<16x8xf32> to vector<1x8xf32>
    %add3A_115 = vector.broadcast %slice3A_114 : vector<1x8xf32> to vector<128x8xf32>
    %add3A_116 = arith.addf %dot_general3A_113, %add3A_115 : vector<128x8xf32>
    %slice3A_117 = vector.extract_strided_slice %convert_element_type3A_18 {offsets = [1536, 0], sizes = [128, 8], strides = [1, 1]} : vector<2048x8xf32> to vector<128x8xf32>
    %dot_general3A_118 = arith.constant dense<0.000000e+00> : vector<128x8xf32>
    %dot_general3A_119 = tpu.matmul %convert_element_type3A_45, %slice3A_117, %dot_general3A_118 {dimension_numbers = #tpu.dot_dimension_numbers<[1], [0], [0], [1], [0, 0, 1, 1], [], []>, transpose_lhs_hint = false} : vector<128x128xf32>, vector<128x8xf32>, vector<128x8xf32> -> vector<128x8xf32>
    %slice3A_120 = vector.extract_strided_slice %dot_general3A_41 {offsets = [12, 0], sizes = [1, 8], strides = [1, 1]} : vector<16x8xf32> to vector<1x8xf32>
    %add3A_121 = vector.broadcast %slice3A_120 : vector<1x8xf32> to vector<128x8xf32>
    %add3A_122 = arith.addf %dot_general3A_119, %add3A_121 : vector<128x8xf32>
    %slice3A_123 = vector.extract_strided_slice %convert_element_type3A_18 {offsets = [1664, 0], sizes = [128, 8], strides = [1, 1]} : vector<2048x8xf32> to vector<128x8xf32>
    %dot_general3A_124 = arith.constant dense<0.000000e+00> : vector<128x8xf32>
    %dot_general3A_125 = tpu.matmul %convert_element_type3A_45, %slice3A_123, %dot_general3A_124 {dimension_numbers = #tpu.dot_dimension_numbers<[1], [0], [0], [1], [0, 0, 1, 1], [], []>, transpose_lhs_hint = false} : vector<128x128xf32>, vector<128x8xf32>, vector<128x8xf32> -> vector<128x8xf32>
    %slice3A_126 = vector.extract_strided_slice %dot_general3A_41 {offsets = [13, 0], sizes = [1, 8], strides = [1, 1]} : vector<16x8xf32> to vector<1x8xf32>
    %add3A_127 = vector.broadcast %slice3A_126 : vector<1x8xf32> to vector<128x8xf32>
    %add3A_128 = arith.addf %dot_general3A_125, %add3A_127 : vector<128x8xf32>
    %slice3A_129 = vector.extract_strided_slice %convert_element_type3A_18 {offsets = [1792, 0], sizes = [128, 8], strides = [1, 1]} : vector<2048x8xf32> to vector<128x8xf32>
    %dot_general3A_130 = arith.constant dense<0.000000e+00> : vector<128x8xf32>
    %dot_general3A_131 = tpu.matmul %convert_element_type3A_45, %slice3A_129, %dot_general3A_130 {dimension_numbers = #tpu.dot_dimension_numbers<[1], [0], [0], [1], [0, 0, 1, 1], [], []>, transpose_lhs_hint = false} : vector<128x128xf32>, vector<128x8xf32>, vector<128x8xf32> -> vector<128x8xf32>
    %slice3A_132 = vector.extract_strided_slice %dot_general3A_41 {offsets = [14, 0], sizes = [1, 8], strides = [1, 1]} : vector<16x8xf32> to vector<1x8xf32>
    %add3A_133 = vector.broadcast %slice3A_132 : vector<1x8xf32> to vector<128x8xf32>
    %add3A_134 = arith.addf %dot_general3A_131, %add3A_133 : vector<128x8xf32>
    %slice3A_135 = vector.extract_strided_slice %convert_element_type3A_18 {offsets = [1920, 0], sizes = [128, 8], strides = [1, 1]} : vector<2048x8xf32> to vector<128x8xf32>
    %dot_general3A_136 = arith.constant dense<0.000000e+00> : vector<128x8xf32>
    %dot_general3A_137 = tpu.matmul %convert_element_type3A_45, %slice3A_135, %dot_general3A_136 {dimension_numbers = #tpu.dot_dimension_numbers<[1], [0], [0], [1], [0, 0, 1, 1], [], []>, transpose_lhs_hint = false} : vector<128x128xf32>, vector<128x8xf32>, vector<128x8xf32> -> vector<128x8xf32>
    %slice3A_138 = vector.extract_strided_slice %dot_general3A_41 {offsets = [15, 0], sizes = [1, 8], strides = [1, 1]} : vector<16x8xf32> to vector<1x8xf32>
    %add3A_139 = vector.broadcast %slice3A_138 : vector<1x8xf32> to vector<128x8xf32>
    %add3A_140 = arith.addf %dot_general3A_137, %add3A_139 : vector<128x8xf32>
    %concatenate3A = tpu.concatenate %add3A_50, %add3A_56, %add3A_62, %add3A_68, %add3A_74, %add3A_80, %add3A_86, %add3A_92, %add3A_98, %add3A_104, %add3A_110, %add3A_116, %add3A_122, %add3A_128, %add3A_134, %add3A_140 in 0 : vector<128x8xf32>, vector<128x8xf32>, vector<128x8xf32>, vector<128x8xf32>, vector<128x8xf32>, vector<128x8xf32>, vector<128x8xf32>, vector<128x8xf32>, vector<128x8xf32>, vector<128x8xf32>, vector<128x8xf32>, vector<128x8xf32>, vector<128x8xf32>, vector<128x8xf32>, vector<128x8xf32>, vector<128x8xf32> -> vector<2048x8xf32>
    %slice3A_141 = vector.extract_strided_slice %dot_general3A_41 {offsets = [15, 0], sizes = [1, 8], strides = [1, 1]} : vector<16x8xf32> to vector<1x8xf32>
    %slice3A_142 = vector.extract_strided_slice %dot_general3A_35 {offsets = [15, 0], sizes = [1, 8], strides = [1, 1]} : vector<16x8xf32> to vector<1x8xf32>
    %add3A_143 = arith.addf %slice3A_141, %slice3A_142 : vector<1x8xf32>
    %add3A_144 = arith.constant 2.550000e+02 : f32
    %add3A_145 = vector.broadcast %add3A_144 : f32 to vector<1x8xf32>
    %add3A_146 = arith.addf %add3A_143, %add3A_145 : vector<1x8xf32>
    %mul3A = arith.constant 3.906250e-03 : f32
    %mul3A_147 = vector.broadcast %mul3A : f32 to vector<1x8xf32>
    %mul3A_148 = arith.mulf %add3A_146, %mul3A_147 : vector<1x8xf32>
    %floor3A = math.floor %mul3A_148 : vector<1x8xf32>
    %mul3A_149 = arith.constant 2.560000e+02 : f32
    %mul3A_150 = vector.broadcast %mul3A_149 : f32 to vector<1x8xf32>
    %mul3A_151 = arith.mulf %floor3A, %mul3A_150 : vector<1x8xf32>
    %iota3A_152 = tpu.iota {dimensions = array<i32: 0>} : vector<8x8xi32>
    %iota3A_153 = tpu.iota {dimensions = array<i32: 1>} : vector<8x8xi32>
    %le3A = arith.cmpi sle, %iota3A_152, %iota3A_153 : vector<8x8xi32>
    %convert_element_type3A_154 = arith.extui %le3A : vector<8x8xi1> to vector<8x8xi32>
    %convert_element_type3A_155 = arith.sitofp %convert_element_type3A_154 : vector<8x8xi32> to vector<8x8xf32>
    %dot_general3A_156 = arith.constant dense<0.000000e+00> : vector<1x8xf32>
    %dot_general3A_157 = tpu.matmul %mul3A_151, %convert_element_type3A_155, %dot_general3A_156 {dimension_numbers = #tpu.dot_dimension_numbers<[1], [0], [0], [1], [0, 0, 1, 1], [], []>, transpose_lhs_hint = false} : vector<1x8xf32>, vector<8x8xf32>, vector<1x8xf32> -> vector<1x8xf32>
    %sub3A = arith.subf %dot_general3A_157, %mul3A_151 : vector<1x8xf32>
    %add3A_158 = vector.broadcast %sub3A : vector<1x8xf32> to vector<2048x8xf32>
    %add3A_159 = arith.addf %add3A_158, %concatenate3A : vector<2048x8xf32>
    %sub3A_160 = arith.constant 1.000000e+00 : f32
    %sub3A_161 = vector.broadcast %sub3A_160 : f32 to vector<2048x8xf32>
    %sub3A_162 = arith.subf %add3A_159, %sub3A_161 : vector<2048x8xf32>
    %mul3A_163 = arith.mulf %convert_element_type3A_18, %sub3A_162 : vector<2048x8xf32>
    %reduce_sum3A = arith.constant dense<0.000000e+00> : vector<2048xf32>
    %reduce_sum3A_164 = vector.multi_reduction <add>, %mul3A_163, %reduce_sum3A [1] : vector<2048x8xf32> to vector<2048xf32>
    %broadcast_in_dim3A_165 = vector.shape_cast %reduce_sum3A_164 : vector<2048xf32> to vector<2048x1xf32>
    %transpose3A_166 = tpu.transpose %broadcast_in_dim3A_165, [1, 0] : vector<2048x1xf32> -> vector<1x2048xf32>
    %convert_element_type3A_167 = arith.fptosi %transpose3A_166 : vector<1x2048xf32> to vector<1x2048xi32>
    %swap3A_168 = arith.constant 0 : index
    %swap3A_169 = arith.constant 0 : index
    %swap3A_170 = vector.load %arg4[%swap3A_168, %swap3A_169] : memref<1x2048xi32, #tpu.memory_space<vmem>>, vector<1x2048xi32>
    tpu.vector_store %arg4[%swap3A_168, %swap3A_169], %convert_element_type3A_167 {strides = array<i32>} : memref<1x2048xi32, #tpu.memory_space<vmem>>, vector<1x2048xi32>,
    %iota3A_171 = tpu.iota {dimensions = array<i32: 0>} : vector<32x8xi32>
    %convert_element_type3A_172 = arith.sitofp %iota3A_171 : vector<32x8xi32> to vector<32x8xf32>
    %mul3A_173 = arith.constant 2.560000e+02 : f32
    %mul3A_174 = vector.broadcast %mul3A_173 : f32 to vector<32x8xf32>
    %mul3A_175 = arith.mulf %convert_element_type3A_172, %mul3A_174 : vector<32x8xf32>
    %le3A_176 = vector.broadcast %sub3A : vector<1x8xf32> to vector<32x8xf32>
    %le3A_177 = arith.cmpf ole, %le3A_176, %mul3A_175 : vector<32x8xf32>
    %add3A_178 = arith.addf %sub3A, %mul3A_151 : vector<1x8xf32>
    %lt3A = vector.broadcast %add3A_178 : vector<1x8xf32> to vector<32x8xf32>
    %lt3A_179 = arith.cmpf olt, %mul3A_175, %lt3A : vector<32x8xf32>
    %and3A = arith.andi %le3A_177, %lt3A_179 : vector<32x8xi1>
    %iota3A_180 = tpu.iota {dimensions = array<i32: 1>} : vector<32x8xi32>
    %convert_element_type3A_181 = arith.sitofp %iota3A_180 : vector<32x8xi32> to vector<32x8xf32>
    %convert_element_type3A_182 = arith.extui %and3A : vector<32x8xi1> to vector<32x8xi32>
    %convert_element_type3A_183 = arith.sitofp %convert_element_type3A_182 : vector<32x8xi32> to vector<32x8xf32>
    %mul3A_184 = arith.mulf %convert_element_type3A_183, %convert_element_type3A_181 : vector<32x8xf32>
    %reduce_sum3A_185 = arith.constant dense<0.000000e+00> : vector<32xf32>
    %reduce_sum3A_186 = vector.multi_reduction <add>, %mul3A_184, %reduce_sum3A_185 [1] : vector<32x8xf32> to vector<32xf32>
    %broadcast_in_dim3A_187 = vector.shape_cast %reduce_sum3A_186 : vector<32xf32> to vector<32x1xf32>
    %reduce_sum3A_188 = arith.constant dense<0.000000e+00> : vector<32xf32>
    %reduce_sum3A_189 = vector.multi_reduction <add>, %convert_element_type3A_183, %reduce_sum3A_188 [1] : vector<32x8xf32> to vector<32xf32>
    %broadcast_in_dim3A_190 = vector.shape_cast %reduce_sum3A_189 : vector<32xf32> to vector<32x1xf32>
    %add3A_191 = arith.addf %broadcast_in_dim3A_187, %broadcast_in_dim3A_190 : vector<32x1xf32>
    %sub3A_192 = arith.constant 1.000000e+00 : f32
    %sub3A_193 = vector.broadcast %sub3A_192 : f32 to vector<32x1xf32>
    %sub3A_194 = arith.subf %add3A_191, %sub3A_193 : vector<32x1xf32>
    %convert_element_type3A_195 = arith.fptosi %sub3A_194 : vector<32x1xf32> to vector<32x1xi32>
    %swap3A_196 = arith.constant 0 : index
    %swap3A_197 = arith.constant 0 : index
    %swap3A_198 = vector.load %arg5[%swap3A_196, %swap3A_197] : memref<32x1xi32, #tpu.memory_space<vmem>>, vector<32x1xi32>
    tpu.vector_store %arg5[%swap3A_196, %swap3A_197], %convert_element_type3A_195 {strides = array<i32>} : memref<32x1xi32, #tpu.memory_space<vmem>>, vector<32x1xi32>,
    return
  }
}

</mosaic_0001>

<sc_bundles>
// kernel: kernel.6.cloned.1.call-start
scs
__scs_entry_jumppad:
0x0: {  	(pc) =	sbr.rel $0x88, $3  }
0x1: {  	(tag) =	ssettag $0x0;
	lr =	simm.s32 $0x1  }
0x2: {  	[smem:$0x3F9A] =	sst lr;
	_ =	strace $0xD0000000  }
0x3: {  	_ = 	snop  }
0x4: {  	_ = 	snop  }
0x5: {  	_ = 	snop  }
0x6: {  	_ = 	snop  }
0x7: {  	_ = 	snop  }
__scs_overlays_trampoline_lowered:
0x8: {  	[smem:$0x3FA9] =	sst s0  }
0x9: {  	[smem:$0x3FAA] =	sst s1  }
0xa: {  	[smem:$0x3FAB] =	sst s2  }
0xb: {  	[smem:$0x3FAC] =	sst s3  }
0xc: {  	[smem:$0x3FAD] =	sst s4  }
0xd: {  	[smem:$0x3FAE] =	sst s5  }
0xe: {  	[smem:$0x3FAF] =	sst s6  }
0xf: {  	[smem:$0x3FB0] =	sst s7  }
0x10: {  	[smem:$0x3FB1] =	sst s8  }
0x11: {  	[smem:$0x3FB2] =	sst s9;
	s0 =	simm.s32 @!p0 $0x0  }
0x12: {  	s1 =	sld [smem:$0x3F98];
	s0 =	simm.s32 @p0 $0x1  }
0x13: {  	[smem:$0x3FB3] =	sst s0;
	s0 =	simm.s32 @!p1 $0x0  }
0x14: {  	s2 =	sld [smem:$0x3F97];
	s0 =	simm.s32 @p1 $0x1  }
0x15: {  	[smem:$0x3FB4] =	sst s0;
	s0 =	simm.s32 @!p2 $0x0  }
0x16: {  	s3 =	sld [smem:$0x3FDB];
	s0 =	simm.s32 @p2 $0x1  }
0x17: {  	s4 =	simm.s32 $0x1BF5;
	[smem:$0x3FB6] =	sst s0  }
0x18: {  	s0 =	sld [smem:$0x3F99];
	_ =	swait.ge [sflag:s4], $0x0  }
0x19: {  	s7 =	sld [smem:$0x3F9A]  }
0x1a: {  	s8 =	sadd.s32 $0xFFFFE003, lr  }
0x1b: {  	s9 =	sadd.s32 $0xFFFFFEF7, lr;
	s5 =	simm.s32 $0xFFFFFFFF;
	p2 =	slt.u32 s8, $0xFFFFF086  }
0x1c: {  	p1 =	slt.u32 s9, $0xF7A;
	s5 =	simm.s32 @!p2 $0x0  }
0x1d: {  	s5 =	simm.s32 @p1 $0x1;
	p0 =	seq.s32 s7, s2  }
0x1e: {  	s7 =	smul.u32 @!p0 $0xF7A, s2;
	p2 =	seq.s32 @!p0 s5, $0x0  }
0x1f: {  	s9 =	smul.u32 $0xF7A, s1;
	s8 =	simm.s32 @!p0 $0x1BF5;
	p2 =	por !p2, p0  }
0x20: {  	[sflag:s8] =	ssyncset.s32 @!p0 $0xFFFFF086;
	s6 =	sadd.s32 @!p0 s3, s7;
	s7 =	simm.s32 @!p0 $0x108  }
0x21: {  	s3 =	sadd.s32 s3, s9;
	s6 =	sadd.s32 @!p0 $0x88, s6;
	s7 =	simm.s32 @p2 $0x1082  }
0x22: {  	[simem:s7], [sflag:s8] =	dma.local @!p0 [hbm:s6], $0xF7A  }
0x23: {  	s9 =	sor.u32 $0xD0000000, s2;
	s6 =	simm.s32 $0x108;
	_ =	swait.ge @!p0 [sflag:s8], $0x0  }
0x24: {  	s3 =	sadd.s32 $0x88, s3;
	s6 =	simm.s32 @!p1 $0x1082;
	[sflag:s4] =	ssyncset.s32 $0xFFFFF086  }
0x25: {  	[simem:s6], [sflag:s4] =	dma.local [hbm:s3], $0xF7A  }
0x26: {  	[smem:$0x3F9A] =	sst s1;
	(tag) =	ssettag s2;
	_ =	strace s9  }
0x27: {  	s1 =	sld [smem:$0x3FAA]  }
0x28: {  	s2 =	sld [smem:$0x3FAB]  }
0x29: {  	s4 =	sld [smem:$0x3FAD]  }
0x2a: {  	p0 =	seq.s32 s5, $0x0;
	s5 =	sld [smem:$0x3FAE]  }
0x2b: {  	s6 =	sld [smem:$0x3FAF]  }
0x2c: {  	s7 =	sld [smem:$0x3FB0]  }
0x2d: {  	s3 =	simm.s32 $0x108;
	s8 =	sld [smem:$0x3FB1]  }
0x2e: {  	s3 =	simm.s32 @!p0 $0x1082;
	s9 =	sld [smem:$0x3FB2]  }
0x2f: {  	lr =	sadd.s32 s0, s3;
	s0 =	sld [smem:$0x3FA9]  }
0x30: {  	s3 =	sld [smem:$0x3FAC]  }
0x31: {  	[smem:$0x3FB5] =	sst s10  }
0x32: {  	s10 =	sld [smem:$0x3FB3];
	_ =	sdelay $0x3  }
0x33: {  	p0 =	seq.s32 s10, $0x1;
	s10 =	sld [smem:$0x3FB5];
	_ =	sdelay $0x3  }
0x34: {  	[smem:$0x3FB5] =	sst s10  }
0x35: {  	s10 =	sld [smem:$0x3FB4];
	_ =	sdelay $0x3  }
0x36: {  	p1 =	seq.s32 s10, $0x1;
	s10 =	sld [smem:$0x3FB5];
	_ =	sdelay $0x3  }
0x37: {  	[smem:$0x3FB5] =	sst s10  }
0x38: {  	s10 =	sld [smem:$0x3FB6]  }
0x39: {  	_ = 	snop;
	(pc) =	sbr.ind lr, $3  }
0x3a: {  	_ = 	snop  }
0x3b: {  	_ = 	snop  }
0x3c: {  	p2 =	seq.s32 s10, $0x1;
	s10 =	sld [smem:$0x3FB5]  }
0x3d: {  	_ =	shalt  }
0x3e: {  	_ =	shalt  }
0x3f: {  	_ =	shalt  }
0x40: {  	_ =	shalt  }
0x41: {  	_ =	shalt  }
0x42: {  	_ =	shalt  }
0x43: {  	_ =	shalt  }
0x44: {  	_ =	shalt  }
0x45: {  	_ =	shalt  }
0x46: {  	_ =	shalt  }
0x47: {  	_ =	shalt  }
0x48: {  	_ =	shalt  }
0x49: {  	_ =	shalt  }
0x4a: {  	_ =	shalt  }
0x4b: {  	_ =	shalt  }
0x4c: {  	_ =	shalt  }
0x4d: {  	_ =	shalt  }
0x4e: {  	_ =	shalt  }
0x4f: {  	_ =	shalt  }
0x50: {  	_ =	shalt  }
0x51: {  	_ =	shalt  }
0x52: {  	_ =	shalt  }
0x53: {  	_ =	shalt  }
0x54: {  	_ =	shalt  }
0x55: {  	_ =	shalt  }
0x56: {  	_ =	shalt  }
0x57: {  	_ =	shalt  }
0x58: {  	_ =	shalt  }
0x59: {  	_ =	shalt  }
0x5a: {  	_ =	shalt  }
0x5b: {  	_ =	shalt  }
0x5c: {  	_ =	shalt  }
0x5d: {  	_ =	shalt  }
0x5e: {  	_ =	shalt  }
0x5f: {  	_ =	shalt  }
0x60: {  	_ =	shalt  }
0x61: {  	_ =	shalt  }
0x62: {  	_ =	shalt  }
0x63: {  	_ =	shalt  }
0x64: {  	_ =	shalt  }
0x65: {  	_ =	shalt  }
0x66: {  	_ =	shalt  }
0x67: {  	_ =	shalt  }
0x68: {  	_ =	shalt  }
0x69: {  	_ =	shalt  }
0x6a: {  	_ =	shalt  }
0x6b: {  	_ =	shalt  }
0x6c: {  	_ =	shalt  }
0x6d: {  	_ =	shalt  }
0x6e: {  	_ =	shalt  }
0x6f: {  	_ =	shalt  }
0x70: {  	_ =	shalt  }
0x71: {  	_ =	shalt  }
0x72: {  	_ =	shalt  }
0x73: {  	_ =	shalt  }
0x74: {  	_ =	shalt  }
0x75: {  	_ =	shalt  }
0x76: {  	_ =	shalt  }
0x77: {  	_ =	shalt  }
0x78: {  	_ =	shalt  }
0x79: {  	_ =	shalt  }
0x7a: {  	_ =	shalt  }
0x7b: {  	_ =	shalt  }
0x7c: {  	_ =	shalt  }
0x7d: {  	_ =	shalt  }
0x7e: {  	_ =	shalt  }
0x7f: {  	_ =	shalt  }
0x80: {  	_ =	shalt  }
0x81: {  	_ =	shalt  }
0x82: {  	_ =	shalt  }
0x83: {  	_ =	shalt  }
0x84: {  	_ =	shalt  }
0x85: {  	_ =	shalt  }
0x86: {  	_ =	shalt  }
0x87: {  	_ =	shalt  }
.Lfunc_end0:
.L_simem_size_0:
called_computation_lowered:
.L_overlay_start_0:
0x88: {  	s2 =	sld [smem:$0x3FD9]  }
0x89: {  	s3 =	sld [smem:$0x3FFE];
	_ =	sdelay $0x1  }
0x8a: {  	s1 =	srdreg.scid  }
0x8b: {  	s0 =	sand.u32 $0x1, s1  }
0x8c: {  	s17 =	sshll.u32 s0, $0xA;
	s2 =	sadd.s32 s3, s2  }
0x8d: {  	s2 =	sadd.s32 s2, s17  }
0x8e: {  	[smem:$0x3FC1] =	sst s2  }
0x8f: {  	_ = 	snop  }
0x90: {  	s2 =	sld [smem:$0x3FC9];
	(tm) =	ssettm $0x1  }
0x91: {  	s18 =	sld [smem:$0x3FFB];
	_ =	sdelay $0x3  }
0x92: {  	_ =	strace s18  }
0x93: {  	s3 =	sld [smem:$0x3FFC];
	_ =	sdelay $0x3  }
0x94: {  	_ =	strace s3  }
0x95: {  	s3 =	sld [smem:$0x3FFD];
	_ =	sdelay $0x3  }
0x96: {  	_ =	strace s3  }
0x97: {  	_ =	strace $0x8FFFFFFF  }
0x98: {  	s19 =	sld [smem:$0x3FDB];
	_ =	sdelay $0x1  }
0x99: {  	s4 =	simm.s32 $_scs_section_size  }
0x9a: {  	s5 =	simm.s32 $_size__tile_overlayer_lowered;
	s6 =	simm.s32 $_tile_overlayer_lowered  }
0x9b: {  	s22 =	simm.s32 $0x1BFF;
	s21 =	sshll.u32 s6, $0x1;
	s3 =	sadd.s32 s4, s19  }
0x9c: {  	s7 =	simm.s32 $0x0;
	s20 =	sshll.u32 s5, $0x1;
	s5 =	sadd.s32 s21, s3  }
0x9d: {  	[timem:s7], [sflag:s22] =	dma.local [hbm:s5], s20  }
0x9e: {  	_ =	swait.ge [sflag:s22], s20  }
0x9f: {  	s4 =	ssub.s32 $0x0, s20;
	[sflag:s22] =	ssyncset.done $0x0  }
0xa0: {  	[sflag:s22] =	ssyncadd.s32 s4;
	_ =	sdelay $0x1  }
0xa1: {  	s23 =	simm.s32 $0x1B8B  }
0xa2: {  	_ =	swait.ge [sflag:s23], $0x1  }
0xa3: {  	[sflag:s23] =	ssyncset.done $0x0  }
0xa4: {  	s25 =	simm.s32 $0x1B8E;
	s24 =	sld [smem:$0x3FFE];
	[sflag:s23] =	ssyncadd.s32 $0xFFFFFFFF  }
0xa5: {  	s26 =	simm.s32 $execute0_lowered;
	[smem:$0x3FD2] =	sst s25  }
0xa6: {  	s5 =	sshll.u32 s26, $0x1;
	_ =	strace $0x80000046;
	[dreg:$0x1] =	wrdreg $0xFFFFFFFF  }
0xa7: {  	s28 =	simm.s32 $_size_execute0_lowered;
	s3 =	sadd.s32 s3, s5;
	[dreg:$0x0] =	wrdreg $0x0  }
0xa8: {  	s5 =	sshll.u32 s28, $0x1;
	[dreg:$0x2] =	wrdreg s3  }
0xa9: {  	[dreg:$0x3] =	wrdreg s5  }
0xaa: {  	[dreg:$0x4] =	wrdreg $0xC0  }
0xab: {  	_ =	task [dreg:s7], $0x5FFFF  }
0xac: {  	[dreg:$0x1] =	wrdreg $0xFFFFFFFF  }
0xad: {  	[dreg:$0x0] =	wrdreg $0x60  }
0xae: {  	[dreg:$0x2] =	wrdreg s2  }
0xaf: {  	[dreg:$0x3] =	wrdreg s24  }
0xb0: {  	[dreg:$0x4] =	wrdreg $0x9  }
0xb1: {  	_ =	task.clear_ibuf [dreg:s7], $0x5FFFF;
	_ =	strace $0x90000046  }
0xb2: {  	s29 =	simm.s32 $0x9;
	_ =	strace $0x80000048  }
0xb3: {  	_ =	swait.ge [sflag:s29], $0x1  }
0xb4: {  	[sflag:s29] =	ssyncadd.s32 $0xFFFFFFFF  }
0xb5: {  	_ =	strace $0x90000048  }
0xb6: {  	_ =	sfence  }
0xb7: {  	s30 =	sld [smem:$0x0];
	_ =	sdelay $0x2  }
0xb8: {  	s31 =	sshll.u32 s1, $0xD;
	s1 =	sshrl.u32 s1, $0x2  }
0xb9: {  	s3 =	sand.u32 $0x4000, s31;
	s1 =	sadd.s32 s1, s30  }
0xba: {  	s0 =	sor.u32 s3, s0;
	s1 =	sshll.u32 s1, $0x11  }
0xbb: {  	s0 =	sor.u32 s1, s0  }
0xbc: {  	s0 =	sadd.s32 $0x8F2B, s0  }
0xbd: {  	[sflag:s0] =	ssyncadd.remote.s32 $0x1  }
0xbe: {  	_ =	sfence.sel $0xFFFF  }
0xbf: {  	[dreg:$0x0] =	wrdreg $0xFFFFFFFF;
	(pc) =	sbr.abs _section_cstart, $3  }
0xc0: {  	[dreg:$0x1] =	wrdreg $0xFFFFFFFF  }
0xc1: {  	_ =	task.clear_ibuf [dreg:s7], $0x2FFFF;
	_ =	strace $0x9FFFFFFF  }
0xc2: {  	(tm) =	ssettm $0x7FFFFFFF  }
0xc3: {  	_ =	shalt  }
tec
execute0_lowered:
.L_overlay_start_1:
0x0: {  	(tag) =	ssettag $0x1  }
0x1: {  	s1 =	srdreg.scid  }
0x2: {  	s3 =	rddreg [dreg:$0x0];
	s0 =	stileid.u32  }
0x3: {  	s5 =	rddreg [dreg:$0x1];
	s2 =	simm.s32 $0x0;
	s8 =	simm.s32 $0x80  }
0x4: {  	s26 =	simm.s32 $0x880;
	s9 =	simm.s32 $0x1080;
	s10 =	simm.s32 $0x1880  }
0x5: {  	s11 =	simm.s32 $0x2080;
	s12 =	simm.s32 $0x2880;
	s13 =	simm.s32 $0x3080  }
0x6: {  	s14 =	simm.s32 $0x3880;
	s15 =	simm.s32 $0x4080;
	s16 =	simm.s32 $0x4880  }
0x7: {  	s17 =	simm.s32 $0x5080;
	s18 =	simm.s32 $0x5880;
	s19 =	simm.s32 $0x6080  }
0x8: {  	s20 =	simm.s32 $0x6880;
	s21 =	simm.s32 $0x7080;
	s22 =	simm.s32 $0x7880  }
0x9: {  	s23 =	simm.s32 $0x8080;
	s24 =	simm.s32 $0x8880;
	s25 =	simm.s32 $0x9080  }
0xa: {  	s28 =	simm.s32 $0xA080;
	s29 =	simm.s32 $0xA880;
	s30 =	simm.s32 $0xB080  }
0xb: {  	s31 =	simm.s32 $0xB880;
	s1 =	sand.u32 $0x1, s1;
	[smem:$0x7FF] =	sst s2  }
0xc: {  	s4 =	sshll.u32 s0, $0x4;
	s6 =	sshll.u32 s1, $0x3;
	_ =	strace $0x80000047  }
0xd: {  	s1 =	ssub.s32 $0x2, s1;
	[dreg:$0x5] =	wrdreg s26;
	s4 =	sor.u32 s6, s4  }
0xe: {  	s7 =	sshrl.u32 s1, $0x1;
	s6 =	sadd.s32 s4, s5;
	s4 =	smul.u32 $0x300, s4  }
0xf: {  	s26 =	simm.s32 $0x9880;
	s1 =	ssub.s32 s1, s7;
	s6 =	sadd.s32 $0x1800, s6  }
0x10: {  	v2 =	vlaneseq.u32;
	s7 =	simm.s32 $0x2;
	[dreg:$0x3] =	wrdreg s6;
	s4 =	sadd.s32 s3, s4  }
0x11: {  	vm0 =	vmmov $0xffff;
	v1 =	vshrl.u32 v2, $0x3;
	s3 =	sadd.s32 $0x1A00, s5;
	s6 =	smax.u32 s1, $0x1;
	s1 =	simm.s32 $0x1  }
0x12: {  	v0 =	vand.u32 $0x7, v2;
	v2 =	vor.u32 $0x8, v2;
	v1 =	vmul.u32 $0x8, v1;
	[dreg:$0x4] =	wrdreg s4;
	s4 =	sadd.s32 $0x1B00, s5;
	s5 =	sadd.s32 $0x1C00, s5  }
.LBB2_1:
0x13: {  	s0 =	rddreg [dreg:$0x3]  }
0x14: {  	[tilespmem:s2], [sflag:$0x2] =	stream.linear.gather [hbm4b:s0+s2], $0x40, $0x38;
	[tilespmem:$0xC080] =	vst v63  }
0x15: {  	_ =	swait.ge [sflag:s7], $0x40  }
0x16: {  	[sflag:s7] =	ssyncset.done $0x0  }
0x17: {  	s0 =	rddreg [dreg:$0x4];
	[sflag:s7] =	ssyncadd.s32 $0xFFFFFFC0  }
0x18: {  	[tilespmem:s8], [sflag:$0x2] =	stream.linear.gather [hbm4b:s0+s2], $0xC000, $0x38;
	[tilespmem:$0xC080] =	vst v63  }
0x19: {  	_ =	swait.ge [sflag:s7], $0xC000  }
0x1a: {  	[sflag:s7] =	ssyncset.done $0x0  }
0x1b: {  	[sflag:s7] =	ssyncadd.s32 $0xFFFF4000  }
0x1c: {  	v3 =	vld [tilespmem:$0x0];
	_ =	sdelay $0x4  }
0x1d: {  	v4 =	vshrl.u32 v3, $0x3  }
0x1e: {  	v4 =	vmul.u32 $0x30, v4  }
0x1f: {  	v3 =	vand.u32 $0x7, v3  }
0x20: {  	v3 =	vor.u32 v3, v4  }
0x21: {  	v4 =	vperm.xlane v3, v0;
	_ =	sdelay $0x1  }
0x22: {  	v4 =	vadd.s32 v1, v4;
	_ =	sdelay $0x3  }
0x23: {  	v3 =	vperm.xlane v3, v2  }
0x24: {  	[hbm4b:s3+s2] =	stream.indirect_vreg.scatter [tilespmem:s8], [sflag:$0x1], $0x80, v4, vm0, $0xb8;
	[tilespmem:$0xC080] =	vst v63  }
0x25: {  	s0 =	rddreg [dreg:$0x5];
	v3 =	vadd.s32 v1, v3  }
0x26: {  	[hbm4b:s4+s2] =	stream.indirect_vreg.scatter [tilespmem:s0], [sflag:$0x1], $0x80, v4, vm0, $0xb8;
	[tilespmem:$0xC080] =	vst v63  }
0x27: {  	_ = 	snop  }
0x28: {  	[hbm4b:s5+s2] =	stream.indirect_vreg.scatter [tilespmem:s9], [sflag:$0x1], $0x80, v4, vm0, $0xb8;
	[tilespmem:$0xC080] =	vst v63  }
0x29: {  	_ = 	snop  }
0x2a: {  	[hbm4b:s3+s2] =	stream.indirect_vreg.scatter [tilespmem:s10], [sflag:$0x1], $0x80, v3, vm0, $0xb8;
	[tilespmem:$0xC080] =	vst v63  }
0x2b: {  	_ = 	snop  }
0x2c: {  	[hbm4b:s4+s2] =	stream.indirect_vreg.scatter [tilespmem:s11], [sflag:$0x1], $0x80, v3, vm0, $0xb8;
	[tilespmem:$0xC080] =	vst v63  }
0x2d: {  	_ = 	snop  }
0x2e: {  	[hbm4b:s5+s2] =	stream.indirect_vreg.scatter [tilespmem:s12], [sflag:$0x1], $0x80, v3, vm0, $0xb8;
	[tilespmem:$0xC080] =	vst v63  }
0x2f: {  	v3 =	vld [tilespmem:$0x10];
	_ =	sdelay $0x4  }
0x30: {  	v61 =	vshrl.u32 v3, $0x3  }
0x31: {  	v4 =	vmul.u32 $0x30, v61  }
0x32: {  	v3 =	vand.u32 $0x7, v3  }
0x33: {  	v3 =	vor.u32 v3, v4  }
0x34: {  	v4 =	vperm.xlane v3, v0;
	_ =	sdelay $0x1  }
0x35: {  	v4 =	vadd.s32 v1, v4;
	_ =	sdelay $0x3  }
0x36: {  	v3 =	vperm.xlane v3, v2  }
0x37: {  	[hbm4b:s3+s2] =	stream.indirect_vreg.scatter [tilespmem:s13], [sflag:$0x1], $0x80, v4, vm0, $0xb8;
	[tilespmem:$0xC080] =	vst v63  }
0x38: {  	v3 =	vadd.s32 v1, v3  }
0x39: {  	[hbm4b:s4+s2] =	stream.indirect_vreg.scatter [tilespmem:s14], [sflag:$0x1], $0x80, v4, vm0, $0xb8;
	[tilespmem:$0xC080] =	vst v63  }
0x3a: {  	_ = 	snop  }
0x3b: {  	[hbm4b:s5+s2] =	stream.indirect_vreg.scatter [tilespmem:s15], [sflag:$0x1], $0x80, v4, vm0, $0xb8;
	[tilespmem:$0xC080] =	vst v63  }
0x3c: {  	_ = 	snop  }
0x3d: {  	[hbm4b:s3+s2] =	stream.indirect_vreg.scatter [tilespmem:s16], [sflag:$0x1], $0x80, v3, vm0, $0xb8;
	[tilespmem:$0xC080] =	vst v63  }
0x3e: {  	_ = 	snop  }
0x3f: {  	[hbm4b:s4+s2] =	stream.indirect_vreg.scatter [tilespmem:s17], [sflag:$0x1], $0x80, v3, vm0, $0xb8;
	[tilespmem:$0xC080] =	vst v63  }
0x40: {  	_ = 	snop  }
0x41: {  	[hbm4b:s5+s2] =	stream.indirect_vreg.scatter [tilespmem:s18], [sflag:$0x1], $0x80, v3, vm0, $0xb8;
	[tilespmem:$0xC080] =	vst v63  }
0x42: {  	v3 =	vld [tilespmem:$0x20];
	_ =	sdelay $0x4  }
0x43: {  	v62 =	vshrl.u32 v3, $0x3  }
0x44: {  	v4 =	vmul.u32 $0x30, v62  }
0x45: {  	v3 =	vand.u32 $0x7, v3  }
0x46: {  	v3 =	vor.u32 v3, v4  }
0x47: {  	v4 =	vperm.xlane v3, v0;
	_ =	sdelay $0x1  }
0x48: {  	v4 =	vadd.s32 v1, v4;
	_ =	sdelay $0x3  }
0x49: {  	v3 =	vperm.xlane v3, v2  }
0x4a: {  	[hbm4b:s3+s2] =	stream.indirect_vreg.scatter [tilespmem:s19], [sflag:$0x1], $0x80, v4, vm0, $0xb8;
	[tilespmem:$0xC080] =	vst v63  }
0x4b: {  	v3 =	vadd.s32 v1, v3  }
0x4c: {  	[hbm4b:s4+s2] =	stream.indirect_vreg.scatter [tilespmem:s20], [sflag:$0x1], $0x80, v4, vm0, $0xb8;
	[tilespmem:$0xC080] =	vst v63  }
0x4d: {  	_ = 	snop  }
0x4e: {  	[hbm4b:s5+s2] =	stream.indirect_vreg.scatter [tilespmem:s21], [sflag:$0x1], $0x80, v4, vm0, $0xb8;
	[tilespmem:$0xC080] =	vst v63  }
0x4f: {  	_ = 	snop  }
0x50: {  	[hbm4b:s3+s2] =	stream.indirect_vreg.scatter [tilespmem:s22], [sflag:$0x1], $0x80, v3, vm0, $0xb8;
	[tilespmem:$0xC080] =	vst v63  }
0x51: {  	_ = 	snop  }
0x52: {  	[hbm4b:s4+s2] =	stream.indirect_vreg.scatter [tilespmem:s23], [sflag:$0x1], $0x80, v3, vm0, $0xb8;
	[tilespmem:$0xC080] =	vst v63  }
0x53: {  	_ = 	snop  }
0x54: {  	[hbm4b:s5+s2] =	stream.indirect_vreg.scatter [tilespmem:s24], [sflag:$0x1], $0x80, v3, vm0, $0xb8;
	[tilespmem:$0xC080] =	vst v63  }
0x55: {  	v3 =	vld [tilespmem:$0x30];
	_ =	sdelay $0x4  }
0x56: {  	v63 =	vshrl.u32 v3, $0x3  }
0x57: {  	v4 =	vmul.u32 $0x30, v63  }
0x58: {  	v3 =	vand.u32 $0x7, v3  }
0x59: {  	v3 =	vor.u32 v3, v4  }
0x5a: {  	v4 =	vperm.xlane v3, v0;
	_ =	sdelay $0x1  }
0x5b: {  	v4 =	vadd.s32 v1, v4;
	_ =	sdelay $0x3  }
0x5c: {  	v3 =	vperm.xlane v3, v2  }
0x5d: {  	[hbm4b:s3+s2] =	stream.indirect_vreg.scatter [tilespmem:s25], [sflag:$0x1], $0x80, v4, vm0, $0xb8;
	[tilespmem:$0xC080] =	vst v63  }
0x5e: {  	v3 =	vadd.s32 v1, v3  }
0x5f: {  	[hbm4b:s4+s2] =	stream.indirect_vreg.scatter [tilespmem:s26], [sflag:$0x1], $0x80, v4, vm0, $0xb8;
	[tilespmem:$0xC080] =	vst v63  }
0x60: {  	_ = 	snop  }
0x61: {  	[hbm4b:s5+s2] =	stream.indirect_vreg.scatter [tilespmem:s28], [sflag:$0x1], $0x80, v4, vm0, $0xb8;
	[tilespmem:$0xC080] =	vst v63  }
0x62: {  	_ = 	snop  }
0x63: {  	[hbm4b:s3+s2] =	stream.indirect_vreg.scatter [tilespmem:s29], [sflag:$0x1], $0x80, v3, vm0, $0xb8;
	[tilespmem:$0xC080] =	vst v63  }
0x64: {  	p0 =	sne.s32 s6, $0x1  }
0x65: {  	[hbm4b:s4+s2] =	stream.indirect_vreg.scatter [tilespmem:s30], [sflag:$0x1], $0x80, v3, vm0, $0xb8;
	[tilespmem:$0xC080] =	vst v63  }
.Ltmp0:
0x66: {  	_ = 	snop;
	(pc) =	sbr.rel @p0 .LBB2_1-.Ltmp0, $4  }
0x67: {  	[hbm4b:s5+s2] =	stream.indirect_vreg.scatter [tilespmem:s31], [sflag:$0x1], $0x80, v3, vm0, $0xb8;
	[tilespmem:$0xC080] =	vst v63  }
0x68: {  	_ =	swait.ge [sflag:s1], $0xC000  }
0x69: {  	[sflag:s1] =	ssyncset.done $0x0  }
0x6a: {  	s6 =	sadd.s32 $0xFFFFFFFF, s6;
	[sflag:s1] =	ssyncadd.s32 $0xFFFF4000  }
0x6b: {  	_ =	sfence.sel $0x180000  }
0x6c: {  	[bflag:$0x0] =	sbarrier.arrive $0xFFFF  }
0x6d: {  	_ =	strace $0x90000047  }
0x6e: {  	s0 =	stileid.u32;
	[bflag:$0x2] =	sbarrier.arrive $0xFFFF  }
0x6f: {  	p0 =	sne.s32 s0, $0x0;
	s0 =	rddreg [dreg:$0x2]  }
0x70: {  	s0 =	sadd.s32 @!p0 $0x100000, s0  }
0x71: {  	[sflag:s0] =	ssyncadd.tile.s32 @!p0 $0x1;
	_ =	shalt  }
.Lfunc_end2:
_tile_overlayer_lowered:
.L_overlay_start_2:
0x72: {  	(tag) =	ssettag $0x2  }
0x73: {  	s0 =	rddreg [dreg:$0x0];
	s2 =	stileid.u32  }
0x74: {  	s1 =	rddreg [dreg:$0x1];
	p0 =	sne.s32 s2, $0x0  }
0x75: {  	s3 =	rddreg [dreg:$0x2];
	[bflag:$0x3] =	sbarrier.arrive $0xFFFF;
	s2 =	simm.s32 @!p0 $0x1C02  }
0x76: {  	[timem:s3], [sflag:s2] =	dma.local @!p0 [hbm:s0], s1  }
0x77: {  	s0 =	simm.s32 @!p0 $0x2  }
0x78: {  	_ =	swait.ge @!p0 [sflag:s0], s1  }
0x79: {  	s1 =	ssub.s32 @!p0 $0x0, s1;
	[sflag:s0] =	ssyncset.done @!p0 $0x0  }
0x7a: {  	[sflag:s0] =	ssyncadd.s32 @!p0 s1  }
0x7b: {  	[bflag:$0x3] =	sbarrier.arrive $0xFFFF  }
0x7c: {  	_ =	shalt  }

// kernel: kernel.9.cloned.1.call-start
scs
__scs_entry_jumppad:
0x0: {  	(pc) =	sbr.rel $0x88, $3  }
0x1: {  	(tag) =	ssettag $0x0;
	lr =	simm.s32 $0x1  }
0x2: {  	[smem:$0x3F9A] =	sst lr;
	_ =	strace $0xD0000000  }
0x3: {  	_ = 	snop  }
0x4: {  	_ = 	snop  }
0x5: {  	_ = 	snop  }
0x6: {  	_ = 	snop  }
0x7: {  	_ = 	snop  }
__scs_overlays_trampoline_lowered:
0x8: {  	[smem:$0x3FA9] =	sst s0  }
0x9: {  	[smem:$0x3FAA] =	sst s1  }
0xa: {  	[smem:$0x3FAB] =	sst s2  }
0xb: {  	[smem:$0x3FAC] =	sst s3  }
0xc: {  	[smem:$0x3FAD] =	sst s4  }
0xd: {  	[smem:$0x3FAE] =	sst s5  }
0xe: {  	[smem:$0x3FAF] =	sst s6  }
0xf: {  	[smem:$0x3FB0] =	sst s7  }
0x10: {  	[smem:$0x3FB1] =	sst s8  }
0x11: {  	[smem:$0x3FB2] =	sst s9;
	s0 =	simm.s32 @!p0 $0x0  }
0x12: {  	s1 =	sld [smem:$0x3F98];
	s0 =	simm.s32 @p0 $0x1  }
0x13: {  	[smem:$0x3FB3] =	sst s0;
	s0 =	simm.s32 @!p1 $0x0  }
0x14: {  	s2 =	sld [smem:$0x3F97];
	s0 =	simm.s32 @p1 $0x1  }
0x15: {  	[smem:$0x3FB4] =	sst s0;
	s0 =	simm.s32 @!p2 $0x0  }
0x16: {  	s3 =	sld [smem:$0x3FDB];
	s0 =	simm.s32 @p2 $0x1  }
0x17: {  	s4 =	simm.s32 $0x1BF5;
	[smem:$0x3FB6] =	sst s0  }
0x18: {  	s0 =	sld [smem:$0x3F99];
	_ =	swait.ge [sflag:s4], $0x0  }
0x19: {  	s7 =	sld [smem:$0x3F9A]  }
0x1a: {  	s8 =	sadd.s32 $0xFFFFE003, lr  }
0x1b: {  	s9 =	sadd.s32 $0xFFFFFEF7, lr;
	s5 =	simm.s32 $0xFFFFFFFF;
	p2 =	slt.u32 s8, $0xFFFFF086  }
0x1c: {  	p1 =	slt.u32 s9, $0xF7A;
	s5 =	simm.s32 @!p2 $0x0  }
0x1d: {  	s5 =	simm.s32 @p1 $0x1;
	p0 =	seq.s32 s7, s2  }
0x1e: {  	s7 =	smul.u32 @!p0 $0xF7A, s2;
	p2 =	seq.s32 @!p0 s5, $0x0  }
0x1f: {  	s9 =	smul.u32 $0xF7A, s1;
	s8 =	simm.s32 @!p0 $0x1BF5;
	p2 =	por !p2, p0  }
0x20: {  	[sflag:s8] =	ssyncset.s32 @!p0 $0xFFFFF086;
	s6 =	sadd.s32 @!p0 s3, s7;
	s7 =	simm.s32 @!p0 $0x108  }
0x21: {  	s3 =	sadd.s32 s3, s9;
	s6 =	sadd.s32 @!p0 $0x88, s6;
	s7 =	simm.s32 @p2 $0x1082  }
0x22: {  	[simem:s7], [sflag:s8] =	dma.local @!p0 [hbm:s6], $0xF7A  }
0x23: {  	s9 =	sor.u32 $0xD0000000, s2;
	s6 =	simm.s32 $0x108;
	_ =	swait.ge @!p0 [sflag:s8], $0x0  }
0x24: {  	s3 =	sadd.s32 $0x88, s3;
	s6 =	simm.s32 @!p1 $0x1082;
	[sflag:s4] =	ssyncset.s32 $0xFFFFF086  }
0x25: {  	[simem:s6], [sflag:s4] =	dma.local [hbm:s3], $0xF7A  }
0x26: {  	[smem:$0x3F9A] =	sst s1;
	(tag) =	ssettag s2;
	_ =	strace s9  }
0x27: {  	s1 =	sld [smem:$0x3FAA]  }
0x28: {  	s2 =	sld [smem:$0x3FAB]  }
0x29: {  	s4 =	sld [smem:$0x3FAD]  }
0x2a: {  	p0 =	seq.s32 s5, $0x0;
	s5 =	sld [smem:$0x3FAE]  }
0x2b: {  	s6 =	sld [smem:$0x3FAF]  }
0x2c: {  	s7 =	sld [smem:$0x3FB0]  }
0x2d: {  	s3 =	simm.s32 $0x108;
	s8 =	sld [smem:$0x3FB1]  }
0x2e: {  	s3 =	simm.s32 @!p0 $0x1082;
	s9 =	sld [smem:$0x3FB2]  }
0x2f: {  	lr =	sadd.s32 s0, s3;
	s0 =	sld [smem:$0x3FA9]  }
0x30: {  	s3 =	sld [smem:$0x3FAC]  }
0x31: {  	[smem:$0x3FB5] =	sst s10  }
0x32: {  	s10 =	sld [smem:$0x3FB3];
	_ =	sdelay $0x3  }
0x33: {  	p0 =	seq.s32 s10, $0x1;
	s10 =	sld [smem:$0x3FB5];
	_ =	sdelay $0x3  }
0x34: {  	[smem:$0x3FB5] =	sst s10  }
0x35: {  	s10 =	sld [smem:$0x3FB4];
	_ =	sdelay $0x3  }
0x36: {  	p1 =	seq.s32 s10, $0x1;
	s10 =	sld [smem:$0x3FB5];
	_ =	sdelay $0x3  }
0x37: {  	[smem:$0x3FB5] =	sst s10  }
0x38: {  	s10 =	sld [smem:$0x3FB6]  }
0x39: {  	_ = 	snop;
	(pc) =	sbr.ind lr, $3  }
0x3a: {  	_ = 	snop  }
0x3b: {  	_ = 	snop  }
0x3c: {  	p2 =	seq.s32 s10, $0x1;
	s10 =	sld [smem:$0x3FB5]  }
0x3d: {  	_ =	shalt  }
0x3e: {  	_ =	shalt  }
0x3f: {  	_ =	shalt  }
0x40: {  	_ =	shalt  }
0x41: {  	_ =	shalt  }
0x42: {  	_ =	shalt  }
0x43: {  	_ =	shalt  }
0x44: {  	_ =	shalt  }
0x45: {  	_ =	shalt  }
0x46: {  	_ =	shalt  }
0x47: {  	_ =	shalt  }
0x48: {  	_ =	shalt  }
0x49: {  	_ =	shalt  }
0x4a: {  	_ =	shalt  }
0x4b: {  	_ =	shalt  }
0x4c: {  	_ =	shalt  }
0x4d: {  	_ =	shalt  }
0x4e: {  	_ =	shalt  }
0x4f: {  	_ =	shalt  }
0x50: {  	_ =	shalt  }
0x51: {  	_ =	shalt  }
0x52: {  	_ =	shalt  }
0x53: {  	_ =	shalt  }
0x54: {  	_ =	shalt  }
0x55: {  	_ =	shalt  }
0x56: {  	_ =	shalt  }
0x57: {  	_ =	shalt  }
0x58: {  	_ =	shalt  }
0x59: {  	_ =	shalt  }
0x5a: {  	_ =	shalt  }
0x5b: {  	_ =	shalt  }
0x5c: {  	_ =	shalt  }
0x5d: {  	_ =	shalt  }
0x5e: {  	_ =	shalt  }
0x5f: {  	_ =	shalt  }
0x60: {  	_ =	shalt  }
0x61: {  	_ =	shalt  }
0x62: {  	_ =	shalt  }
0x63: {  	_ =	shalt  }
0x64: {  	_ =	shalt  }
0x65: {  	_ =	shalt  }
0x66: {  	_ =	shalt  }
0x67: {  	_ =	shalt  }
0x68: {  	_ =	shalt  }
0x69: {  	_ =	shalt  }
0x6a: {  	_ =	shalt  }
0x6b: {  	_ =	shalt  }
0x6c: {  	_ =	shalt  }
0x6d: {  	_ =	shalt  }
0x6e: {  	_ =	shalt  }
0x6f: {  	_ =	shalt  }
0x70: {  	_ =	shalt  }
0x71: {  	_ =	shalt  }
0x72: {  	_ =	shalt  }
0x73: {  	_ =	shalt  }
0x74: {  	_ =	shalt  }
0x75: {  	_ =	shalt  }
0x76: {  	_ =	shalt  }
0x77: {  	_ =	shalt  }
0x78: {  	_ =	shalt  }
0x79: {  	_ =	shalt  }
0x7a: {  	_ =	shalt  }
0x7b: {  	_ =	shalt  }
0x7c: {  	_ =	shalt  }
0x7d: {  	_ =	shalt  }
0x7e: {  	_ =	shalt  }
0x7f: {  	_ =	shalt  }
0x80: {  	_ =	shalt  }
0x81: {  	_ =	shalt  }
0x82: {  	_ =	shalt  }
0x83: {  	_ =	shalt  }
0x84: {  	_ =	shalt  }
0x85: {  	_ =	shalt  }
0x86: {  	_ =	shalt  }
0x87: {  	_ =	shalt  }
.Lfunc_end0:
.L_simem_size_0:
called_computation.1_lowered:
.L_overlay_start_0:
0x88: {  	s2 =	sld [smem:$0x3FD9]  }
0x89: {  	s3 =	sld [smem:$0x3FFE];
	_ =	sdelay $0x1  }
0x8a: {  	s1 =	srdreg.scid  }
0x8b: {  	s0 =	sand.u32 $0x1, s1  }
0x8c: {  	s14 =	sshll.u32 s0, $0xA;
	s2 =	sadd.s32 s3, s2  }
0x8d: {  	s2 =	sadd.s32 s2, s14  }
0x8e: {  	[smem:$0x3FC1] =	sst s2  }
0x8f: {  	_ = 	snop  }
0x90: {  	s2 =	sld [smem:$0x3FD0];
	_ =	sdelay $0x2  }
0x91: {  	s15 =	simm.s32 $0xA;
	s4 =	simm.s32 $0x10  }
0x92: {  	[smem:s4], [sflag:s15] =	dma.local [hbm:s2], $0x1  }
0x93: {  	_ =	swait.eq [sflag:s15], $0x1  }
0x94: {  	[sflag:s15] =	ssyncset.done $0x0  }
0x95: {  	[sflag:s15] =	ssyncadd.s32 $0xFFFFFFFF  }
0x96: {  	s16 =	sld [smem:$0x10];
	(tm) =	ssettm $0x1  }
0x97: {  	s17 =	sld [smem:$0x3FFB];
	_ =	sdelay $0x3  }
0x98: {  	_ =	strace s17  }
0x99: {  	s3 =	sld [smem:$0x3FFC];
	_ =	sdelay $0x3  }
0x9a: {  	_ =	strace s3  }
0x9b: {  	s3 =	sld [smem:$0x3FFD];
	_ =	sdelay $0x3  }
0x9c: {  	_ =	strace s3  }
0x9d: {  	_ =	strace $0x8FFFFFFF  }
0x9e: {  	s18 =	sld [smem:$0x3FDB];
	_ =	sdelay $0x1  }
0x9f: {  	s19 =	simm.s32 $_scs_section_size  }
0xa0: {  	s5 =	simm.s32 $_size__tile_overlayer_lowered;
	s6 =	simm.s32 $_tile_overlayer_lowered  }
0xa1: {  	s22 =	simm.s32 $0x1BFF;
	s21 =	sshll.u32 s6, $0x1;
	s3 =	sadd.s32 s19, s18  }
0xa2: {  	s7 =	simm.s32 $0x0;
	s20 =	sshll.u32 s5, $0x1;
	s5 =	sadd.s32 s21, s3  }
0xa3: {  	[timem:s7], [sflag:s22] =	dma.local [hbm:s5], s20  }
0xa4: {  	_ =	swait.ge [sflag:s22], s20  }
0xa5: {  	s4 =	ssub.s32 $0x0, s20;
	[sflag:s22] =	ssyncset.done $0x0  }
0xa6: {  	[sflag:s22] =	ssyncadd.s32 s4;
	_ =	sdelay $0x1  }
0xa7: {  	s23 =	simm.s32 $0x1B8B  }
0xa8: {  	_ =	swait.ge [sflag:s23], $0x1  }
0xa9: {  	[sflag:s23] =	ssyncset.done $0x0  }
0xaa: {  	s25 =	simm.s32 $0x1B8E;
	s24 =	sld [smem:$0x3FFE];
	[sflag:s23] =	ssyncadd.s32 $0xFFFFFFFF  }
0xab: {  	s26 =	simm.s32 $execute0_lowered;
	[smem:$0x3FD2] =	sst s25  }
0xac: {  	s5 =	sshll.u32 s26, $0x1;
	_ =	strace $0x80000049;
	[dreg:$0x1] =	wrdreg $0xFFFFFFFF  }
0xad: {  	s28 =	simm.s32 $_size_execute0_lowered;
	s3 =	sadd.s32 s3, s5;
	[dreg:$0x0] =	wrdreg $0x0  }
0xae: {  	s5 =	sshll.u32 s28, $0x1;
	[dreg:$0x2] =	wrdreg s3  }
0xaf: {  	[dreg:$0x3] =	wrdreg s5  }
0xb0: {  	[dreg:$0x4] =	wrdreg $0xC0  }
0xb1: {  	_ =	task [dreg:s7], $0x5FFFF  }
0xb2: {  	[dreg:$0x1] =	wrdreg $0xFFFFFFFF  }
0xb3: {  	[dreg:$0x0] =	wrdreg $0x60  }
0xb4: {  	[dreg:$0x2] =	wrdreg s24  }
0xb5: {  	[dreg:$0x3] =	wrdreg s16  }
0xb6: {  	[dreg:$0x4] =	wrdreg $0x9  }
0xb7: {  	_ =	task.clear_ibuf [dreg:s7], $0x5FFFF;
	_ =	strace $0x90000049  }
0xb8: {  	s29 =	simm.s32 $0x9;
	_ =	strace $0x8000004B  }
0xb9: {  	_ =	swait.ge [sflag:s29], $0x1  }
0xba: {  	[sflag:s29] =	ssyncadd.s32 $0xFFFFFFFF  }
0xbb: {  	_ =	strace $0x9000004B  }
0xbc: {  	_ =	sfence  }
0xbd: {  	s30 =	sld [smem:$0x0];
	_ =	sdelay $0x2  }
0xbe: {  	s31 =	sshll.u32 s1, $0xD;
	s1 =	sshrl.u32 s1, $0x2  }
0xbf: {  	s3 =	sand.u32 $0x4000, s31;
	s1 =	sadd.s32 s1, s30  }
0xc0: {  	s0 =	sor.u32 s3, s0;
	s1 =	sshll.u32 s1, $0x11  }
0xc1: {  	s0 =	sor.u32 s1, s0  }
0xc2: {  	s0 =	sadd.s32 $0x8F2B, s0  }
0xc3: {  	[sflag:s0] =	ssyncadd.remote.s32 $0x1  }
0xc4: {  	_ =	sfence.sel $0xFFFF  }
0xc5: {  	[dreg:$0x0] =	wrdreg $0xFFFFFFFF;
	(pc) =	sbr.abs _section_cstart, $3  }
0xc6: {  	[dreg:$0x1] =	wrdreg $0xFFFFFFFF  }
0xc7: {  	_ =	task.clear_ibuf [dreg:s7], $0x2FFFF;
	_ =	strace $0x9FFFFFFF  }
0xc8: {  	(tm) =	ssettm $0x7FFFFFFF  }
0xc9: {  	_ =	shalt  }
tec
execute0_lowered:
.L_overlay_start_1:
0x0: {  	(tag) =	ssettag $0x1  }
0x1: {  	s0 =	rddreg [dreg:$0x0]  }
0x2: {  	s5 =	rddreg [dreg:$0x1];
	s3 =	srdreg.scid  }
0x3: {  	s2 =	simm.s32 $0x0;
	s1 =	stileid.u32;
	s26 =	simm.s32 $0x880  }
0x4: {  	s10 =	simm.s32 $0x1880;
	s11 =	simm.s32 $0x2080;
	s12 =	simm.s32 $0x2880  }
0x5: {  	s13 =	simm.s32 $0x3080;
	s14 =	simm.s32 $0x3880;
	s15 =	simm.s32 $0x4080  }
0x6: {  	s16 =	simm.s32 $0x4880;
	s17 =	simm.s32 $0x5080;
	s18 =	simm.s32 $0x5880  }
0x7: {  	s19 =	simm.s32 $0x6080;
	s20 =	simm.s32 $0x6880;
	s21 =	simm.s32 $0x7080  }
0x8: {  	s22 =	simm.s32 $0x7880;
	s28 =	simm.s32 $0xA080;
	s29 =	simm.s32 $0xA880  }
0x9: {  	s30 =	simm.s32 $0xB080;
	s31 =	simm.s32 $0xB880;
	s3 =	sand.u32 $0x1, s3  }
0xa: {  	[smem:$0x7FF] =	sst s2;
	s4 =	sshll.u32 s1, $0x4;
	s6 =	sshll.u32 s3, $0x3  }
0xb: {  	_ =	strace $0x8000004A;
	s23 =	ssub.s32 $0x2, s3;
	s3 =	sadd.s32 $0x1A00, s0  }
0xc: {  	[dreg:$0x5] =	wrdreg s26;
	s26 =	simm.s32 $0x9880;
	s4 =	sor.u32 s6, s4  }
0xd: {  	s8 =	sshrl.u32 s23, $0x1;
	s7 =	sadd.s32 s4, s0;
	s9 =	smul.u32 $0x300, s4  }
0xe: {  	s6 =	ssub.s32 s23, s8;
	s4 =	sadd.s32 $0x1B00, s0;
	s8 =	simm.s32 $0x80  }
0xf: {  	s23 =	simm.s32 $0x8080;
	s24 =	sadd.s32 $0x1800, s7;
	s6 =	smax.u32 s6, $0x1  }
0x10: {  	v2 =	vlaneseq.u32;
	s7 =	simm.s32 $0x2;
	[dreg:$0x3] =	wrdreg s24;
	s25 =	sadd.s32 s5, s9  }
0x11: {  	vm0 =	vmmov $0xffff;
	v1 =	vshrl.u32 v2, $0x3;
	s5 =	sadd.s32 $0x1C00, s0;
	s9 =	simm.s32 $0x1080;
	s24 =	simm.s32 $0x8880  }
0x12: {  	v0 =	vand.u32 $0x7, v2;
	v2 =	vor.u32 $0x8, v2;
	v1 =	vmul.u32 $0x8, v1;
	s0 =	simm.s32 $0x1;
	[dreg:$0x4] =	wrdreg s25;
	s25 =	simm.s32 $0x9080  }
.LBB2_1:
0x13: {  	s1 =	rddreg [dreg:$0x3]  }
0x14: {  	[tilespmem:s2], [sflag:$0x2] =	stream.linear.gather [hbm4b:s1+s2], $0x40, $0x38;
	[tilespmem:$0xC080] =	vst v63  }
0x15: {  	_ =	swait.ge [sflag:s7], $0x40  }
0x16: {  	[sflag:s7] =	ssyncset.done $0x0  }
0x17: {  	[sflag:s7] =	ssyncadd.s32 $0xFFFFFFC0  }
0x18: {  	v3 =	vld [tilespmem:$0x0];
	_ =	sdelay $0x4  }
0x19: {  	v4 =	vshrl.u32 v3, $0x3  }
0x1a: {  	v4 =	vmul.u32 $0x30, v4  }
0x1b: {  	v3 =	vand.u32 $0x7, v3  }
0x1c: {  	v3 =	vor.u32 v3, v4  }
0x1d: {  	v4 =	vperm.xlane v3, v0;
	_ =	sdelay $0x1  }
0x1e: {  	v4 =	vadd.s32 v1, v4;
	_ =	sdelay $0x3  }
0x1f: {  	v3 =	vperm.xlane v3, v2  }
0x20: {  	[tilespmem:s8], [sflag:$0x1] =	stream.indirect_vreg.gather [hbm4b:s3+s2], $0x80, v4, vm0, $0xb8;
	[tilespmem:$0xC080] =	vst v63  }
0x21: {  	s1 =	rddreg [dreg:$0x5];
	v3 =	vadd.s32 v1, v3  }
0x22: {  	[tilespmem:s1], [sflag:$0x1] =	stream.indirect_vreg.gather [hbm4b:s4+s2], $0x80, v4, vm0, $0xb8;
	[tilespmem:$0xC080] =	vst v63  }
0x23: {  	_ = 	snop  }
0x24: {  	[tilespmem:s9], [sflag:$0x1] =	stream.indirect_vreg.gather [hbm4b:s5+s2], $0x80, v4, vm0, $0xb8;
	[tilespmem:$0xC080] =	vst v63  }
0x25: {  	_ = 	snop  }
0x26: {  	[tilespmem:s10], [sflag:$0x1] =	stream.indirect_vreg.gather [hbm4b:s3+s2], $0x80, v3, vm0, $0xb8;
	[tilespmem:$0xC080] =	vst v63  }
0x27: {  	_ = 	snop  }
0x28: {  	[tilespmem:s11], [sflag:$0x1] =	stream.indirect_vreg.gather [hbm4b:s4+s2], $0x80, v3, vm0, $0xb8;
	[tilespmem:$0xC080] =	vst v63  }
0x29: {  	_ = 	snop  }
0x2a: {  	[tilespmem:s12], [sflag:$0x1] =	stream.indirect_vreg.gather [hbm4b:s5+s2], $0x80, v3, vm0, $0xb8;
	[tilespmem:$0xC080] =	vst v63  }
0x2b: {  	v3 =	vld [tilespmem:$0x10];
	_ =	sdelay $0x4  }
0x2c: {  	v61 =	vshrl.u32 v3, $0x3  }
0x2d: {  	v4 =	vmul.u32 $0x30, v61  }
0x2e: {  	v3 =	vand.u32 $0x7, v3  }
0x2f: {  	v3 =	vor.u32 v3, v4  }
0x30: {  	v4 =	vperm.xlane v3, v0;
	_ =	sdelay $0x1  }
0x31: {  	v4 =	vadd.s32 v1, v4;
	_ =	sdelay $0x3  }
0x32: {  	v3 =	vperm.xlane v3, v2  }
0x33: {  	[tilespmem:s13], [sflag:$0x1] =	stream.indirect_vreg.gather [hbm4b:s3+s2], $0x80, v4, vm0, $0xb8;
	[tilespmem:$0xC080] =	vst v63  }
0x34: {  	v3 =	vadd.s32 v1, v3  }
0x35: {  	[tilespmem:s14], [sflag:$0x1] =	stream.indirect_vreg.gather [hbm4b:s4+s2], $0x80, v4, vm0, $0xb8;
	[tilespmem:$0xC080] =	vst v63  }
0x36: {  	_ = 	snop  }
0x37: {  	[tilespmem:s15], [sflag:$0x1] =	stream.indirect_vreg.gather [hbm4b:s5+s2], $0x80, v4, vm0, $0xb8;
	[tilespmem:$0xC080] =	vst v63  }
0x38: {  	_ = 	snop  }
0x39: {  	[tilespmem:s16], [sflag:$0x1] =	stream.indirect_vreg.gather [hbm4b:s3+s2], $0x80, v3, vm0, $0xb8;
	[tilespmem:$0xC080] =	vst v63  }
0x3a: {  	_ = 	snop  }
0x3b: {  	[tilespmem:s17], [sflag:$0x1] =	stream.indirect_vreg.gather [hbm4b:s4+s2], $0x80, v3, vm0, $0xb8;
	[tilespmem:$0xC080] =	vst v63  }
0x3c: {  	_ = 	snop  }
0x3d: {  	[tilespmem:s18], [sflag:$0x1] =	stream.indirect_vreg.gather [hbm4b:s5+s2], $0x80, v3, vm0, $0xb8;
	[tilespmem:$0xC080] =	vst v63  }
0x3e: {  	v3 =	vld [tilespmem:$0x20];
	_ =	sdelay $0x4  }
0x3f: {  	v62 =	vshrl.u32 v3, $0x3  }
0x40: {  	v4 =	vmul.u32 $0x30, v62  }
0x41: {  	v3 =	vand.u32 $0x7, v3  }
0x42: {  	v3 =	vor.u32 v3, v4  }
0x43: {  	v4 =	vperm.xlane v3, v0;
	_ =	sdelay $0x1  }
0x44: {  	v4 =	vadd.s32 v1, v4;
	_ =	sdelay $0x3  }
0x45: {  	v3 =	vperm.xlane v3, v2  }
0x46: {  	[tilespmem:s19], [sflag:$0x1] =	stream.indirect_vreg.gather [hbm4b:s3+s2], $0x80, v4, vm0, $0xb8;
	[tilespmem:$0xC080] =	vst v63  }
0x47: {  	v3 =	vadd.s32 v1, v3  }
0x48: {  	[tilespmem:s20], [sflag:$0x1] =	stream.indirect_vreg.gather [hbm4b:s4+s2], $0x80, v4, vm0, $0xb8;
	[tilespmem:$0xC080] =	vst v63  }
0x49: {  	_ = 	snop  }
0x4a: {  	[tilespmem:s21], [sflag:$0x1] =	stream.indirect_vreg.gather [hbm4b:s5+s2], $0x80, v4, vm0, $0xb8;
	[tilespmem:$0xC080] =	vst v63  }
0x4b: {  	_ = 	snop  }
0x4c: {  	[tilespmem:s22], [sflag:$0x1] =	stream.indirect_vreg.gather [hbm4b:s3+s2], $0x80, v3, vm0, $0xb8;
	[tilespmem:$0xC080] =	vst v63  }
0x4d: {  	_ = 	snop  }
0x4e: {  	[tilespmem:s23], [sflag:$0x1] =	stream.indirect_vreg.gather [hbm4b:s4+s2], $0x80, v3, vm0, $0xb8;
	[tilespmem:$0xC080] =	vst v63  }
0x4f: {  	_ = 	snop  }
0x50: {  	[tilespmem:s24], [sflag:$0x1] =	stream.indirect_vreg.gather [hbm4b:s5+s2], $0x80, v3, vm0, $0xb8;
	[tilespmem:$0xC080] =	vst v63  }
0x51: {  	v3 =	vld [tilespmem:$0x30];
	_ =	sdelay $0x4  }
0x52: {  	v63 =	vshrl.u32 v3, $0x3  }
0x53: {  	v4 =	vmul.u32 $0x30, v63  }
0x54: {  	v3 =	vand.u32 $0x7, v3  }
0x55: {  	v3 =	vor.u32 v3, v4  }
0x56: {  	v4 =	vperm.xlane v3, v0;
	_ =	sdelay $0x1  }
0x57: {  	v4 =	vadd.s32 v1, v4;
	_ =	sdelay $0x3  }
0x58: {  	v3 =	vperm.xlane v3, v2  }
0x59: {  	[tilespmem:s25], [sflag:$0x1] =	stream.indirect_vreg.gather [hbm4b:s3+s2], $0x80, v4, vm0, $0xb8;
	[tilespmem:$0xC080] =	vst v63  }
0x5a: {  	v3 =	vadd.s32 v1, v3  }
0x5b: {  	[tilespmem:s26], [sflag:$0x1] =	stream.indirect_vreg.gather [hbm4b:s4+s2], $0x80, v4, vm0, $0xb8;
	[tilespmem:$0xC080] =	vst v63  }
0x5c: {  	_ = 	snop  }
0x5d: {  	[tilespmem:s28], [sflag:$0x1] =	stream.indirect_vreg.gather [hbm4b:s5+s2], $0x80, v4, vm0, $0xb8;
	[tilespmem:$0xC080] =	vst v63  }
0x5e: {  	_ = 	snop  }
0x5f: {  	[tilespmem:s29], [sflag:$0x1] =	stream.indirect_vreg.gather [hbm4b:s3+s2], $0x80, v3, vm0, $0xb8;
	[tilespmem:$0xC080] =	vst v63  }
0x60: {  	_ = 	snop  }
0x61: {  	[tilespmem:s30], [sflag:$0x1] =	stream.indirect_vreg.gather [hbm4b:s4+s2], $0x80, v3, vm0, $0xb8;
	[tilespmem:$0xC080] =	vst v63  }
0x62: {  	_ = 	snop  }
0x63: {  	[tilespmem:s31], [sflag:$0x1] =	stream.indirect_vreg.gather [hbm4b:s5+s2], $0x80, v3, vm0, $0xb8;
	[tilespmem:$0xC080] =	vst v63  }
0x64: {  	_ =	swait.ge [sflag:s0], $0xC000  }
0x65: {  	p0 =	sne.s32 s6, $0x1;
	[sflag:s0] =	ssyncset.done $0x0  }
.Ltmp0:
0x66: {  	s1 =	rddreg [dreg:$0x4];
	[sflag:s0] =	ssyncadd.s32 $0xFFFF4000;
	(pc) =	sbr.rel @p0 .LBB2_1-.Ltmp0, $4  }
0x67: {  	[hbm4b:s1+s2] =	stream.linear.scatter [tilespmem:s8], [sflag:$0x2], $0xC000, $0x38;
	[tilespmem:$0xC080] =	vst v63  }
0x68: {  	_ =	swait.ge [sflag:s7], $0xC000  }
0x69: {  	[sflag:s7] =	ssyncset.done $0x0  }
0x6a: {  	s6 =	sadd.s32 $0xFFFFFFFF, s6;
	[sflag:s7] =	ssyncadd.s32 $0xFFFF4000  }
0x6b: {  	_ =	sfence.sel $0x180000  }
0x6c: {  	[bflag:$0x0] =	sbarrier.arrive $0xFFFF  }
0x6d: {  	_ =	strace $0x9000004A  }
0x6e: {  	s0 =	stileid.u32;
	[bflag:$0x2] =	sbarrier.arrive $0xFFFF  }
0x6f: {  	p0 =	sne.s32 s0, $0x0;
	s0 =	rddreg [dreg:$0x2]  }
0x70: {  	s0 =	sadd.s32 @!p0 $0x100000, s0  }
0x71: {  	[sflag:s0] =	ssyncadd.tile.s32 @!p0 $0x1;
	_ =	shalt  }
.Lfunc_end2:
_tile_overlayer_lowered:
.L_overlay_start_2:
0x72: {  	(tag) =	ssettag $0x2  }
0x73: {  	s0 =	rddreg [dreg:$0x0];
	s2 =	stileid.u32  }
0x74: {  	s1 =	rddreg [dreg:$0x1];
	p0 =	sne.s32 s2, $0x0  }
0x75: {  	s3 =	rddreg [dreg:$0x2];
	[bflag:$0x3] =	sbarrier.arrive $0xFFFF;
	s2 =	simm.s32 @!p0 $0x1C02  }
0x76: {  	[timem:s3], [sflag:s2] =	dma.local @!p0 [hbm:s0], s1  }
0x77: {  	s0 =	simm.s32 @!p0 $0x2  }
0x78: {  	_ =	swait.ge @!p0 [sflag:s0], s1  }
0x79: {  	s1 =	ssub.s32 @!p0 $0x0, s1;
	[sflag:s0] =	ssyncset.done @!p0 $0x0  }
0x7a: {  	[sflag:s0] =	ssyncadd.s32 @!p0 s1  }
0x7b: {  	[bflag:$0x3] =	sbarrier.arrive $0xFFFF  }
0x7c: {  	_ =	shalt  }

</sc_bundles>
